<compile_context>
chip_gen: v7x
topology: tpu7x:2x2x1
jax: 0.10.2.dev20260603
libtpu: 0.0.44.dev20260713+nightly
codegen_flags: <defaults>
</compile_context>

<pallas_src>
import functools

import jax
import jax.numpy as jnp
import numpy as np
from jax.experimental import pallas as pl
from jax.experimental.pallas import tpu as pltpu

_RATIO = 0.25
_R_LIST = (0.2, 0.4)
_K = 128

_LANES = 128
_N = 10000
_NPAD = 10240
_BC = 16

_INF_BITS = np.float32(np.inf).view(np.int32).item()
_R_BITS = tuple(np.float32(r * r).view(np.int32).item() for r in _R_LIST)



_ACC = 1024


def _fps_kernel(px_ref, py_ref, pz_ref, idx_ref, *, n_valid, npoint):
    rows = px_ref.shape[0]
    row_iota = jax.lax.broadcasted_iota(jnp.int32, (rows, _LANES), 0)
    col_iota = jax.lax.broadcasted_iota(jnp.int32, (rows, _LANES), 1)
    flat_iota = row_iota * _LANES + col_iota
    valid = flat_iota < n_valid

    px = px_ref[...]
    py = py_ref[...]
    pz = pz_ref[...]

    zeros = jnp.zeros_like(px)
    sel0 = flat_iota == 0
    lx0 = jnp.sum(jnp.where(sel0, px, zeros), keepdims=True)
    ly0 = jnp.sum(jnp.where(sel0, py, zeros), keepdims=True)
    lz0 = jnp.sum(jnp.where(sel0, pz, zeros), keepdims=True)

    inf = jnp.float32(jnp.inf)
    dists0 = jnp.where(valid, inf, -inf)

    acc_iota = jax.lax.broadcasted_iota(jnp.int32, (8, _LANES), 0) * _LANES \
        + jax.lax.broadcasted_iota(jnp.int32, (8, _LANES), 1)
    acc0 = jnp.zeros((8, _LANES), jnp.int32)
    big = jnp.int32(2**30)

    def body(i, state):
        dists, lx, ly, lz, acc = state
        dx = px - lx
        dy = py - ly
        dz = pz - lz
        d = dx * dx + dy * dy + dz * dz
        dists = jnp.minimum(dists, d)
        m = jnp.max(dists, keepdims=True)
        am = jnp.min(jnp.where(dists == m, flat_iota, big), keepdims=True)
        acc = jnp.where(acc_iota == (i & (_ACC - 1)), am, acc)

        @pl.when((i & (_ACC - 1)) == (_ACC - 1))
        def _():
            idx_ref[pl.ds((i >> 10) * 8, 8), :] = acc

        sel = flat_iota == am
        nlx = jnp.sum(jnp.where(sel, px, zeros), keepdims=True)
        nly = jnp.sum(jnp.where(sel, py, zeros), keepdims=True)
        nlz = jnp.sum(jnp.where(sel, pz, zeros), keepdims=True)
        return (dists, nlx, nly, nlz, acc)

    state = jax.lax.fori_loop(
        1, npoint, body, (dists0, lx0, ly0, lz0, acc0))
    nblk = (npoint - 1) >> 10
    idx_ref[pl.ds(nblk * 8, 8), :] = state[4]


def _fps_pallas(pos, npoint):
    n = pos.shape[0]
    rows = (n + _LANES - 1) // _LANES
    npad = rows * _LANES
    posp = jnp.pad(pos, ((0, npad - n), (0, 0)))
    px = posp[:, 0].reshape(rows, _LANES)
    py = posp[:, 1].reshape(rows, _LANES)
    pz = posp[:, 2].reshape(rows, _LANES)
    out_rows = 8 * ((npoint + _ACC - 1) // _ACC)
    fn = pl.pallas_call(
        functools.partial(_fps_kernel, n_valid=n, npoint=npoint),
        out_shape=jax.ShapeDtypeStruct((out_rows, _LANES), jnp.int32),
    )
    idx = fn(px, py, pz).reshape(-1)[:npoint]
    return idx



def _shift_right(x, k):
    return jnp.concatenate([jnp.zeros_like(x[:, :k]), x[:, :-k]], axis=1)


def _shift_left(x, k):
    return jnp.concatenate([x[:, k:], jnp.zeros_like(x[:, :k])], axis=1)


def _select_kernel(px_ref, py_ref, pz_ref, cx_ref, cy_ref, cz_ref,
                   nbr0_ref, nbr1_ref):
    px = px_ref[...]
    py = py_ref[...]
    pz = pz_ref[...]
    cx = cx_ref[...]
    cy = cy_ref[...]
    cz = cz_ref[...]

    dx = px - cx
    dy = py - cy
    dz = pz - cz
    d2 = dx * dx + dy * dy + dz * dz

    col = jax.lax.broadcasted_iota(jnp.int32, (_BC, _NPAD), 1)
    bits = pltpu.bitcast(d2, jnp.int32)
    bits = jnp.where(col < _N, bits, _INF_BITS)

    k128 = jnp.int32(_K)

    for r2b, nbr_ref in ((_R_BITS[0], nbr0_ref), (_R_BITS[1], nbr1_ref)):
        lo0 = jnp.zeros((_BC, 1), jnp.int32)
        hi0 = jnp.full((_BC, 1), r2b, jnp.int32)

        def bs_body(_, lohi):
            lo, hi = lohi
            mid = (lo + hi) >> 1
            cnt = jnp.sum((bits <= mid).astype(jnp.int32), axis=1,
                          keepdims=True)
            ge = cnt >= k128
            return (jnp.where(ge, lo, mid + 1), jnp.where(ge, mid, hi))

        _, theta = jax.lax.fori_loop(0, 31, bs_body, (lo0, hi0))

        sel = bits <= theta
        seli = sel.astype(jnp.int32)

        c = seli
        k = 1
        while k < _NPAD:
            c = c + _shift_right(c, k)
            k *= 2
        rank = c - seli

        p0 = jnp.where(sel, (rank << 16) | (col + 1), 0)
        k = 1
        while k < _NPAD:
            move = (p0 > 0) & (((col - (p0 >> 16)) & k) != 0)
            inc = _shift_left(jnp.where(move, p0, 0), k)
            p0 = jnp.where(move, 0, p0) + inc
            k *= 2

        nbr_ref[...] = (p0[:, :_K] & 0xFFFF) - 1


def _select_pallas(pos, centers_pos):
    npoint = centers_pos.shape[0]
    cpad = ((npoint + _BC - 1) // _BC) * _BC
    posp = jnp.pad(pos, ((0, _NPAD - pos.shape[0]), (0, 0)))
    cp = jnp.pad(centers_pos, ((0, cpad - npoint), (0, 0)))
    px = posp[:, 0].reshape(1, _NPAD)
    py = posp[:, 1].reshape(1, _NPAD)
    pz = posp[:, 2].reshape(1, _NPAD)
    cx = cp[:, 0].reshape(cpad, 1)
    cy = cp[:, 1].reshape(cpad, 1)
    cz = cp[:, 2].reshape(cpad, 1)

    grid = (cpad // _BC,)
    pspec = pl.BlockSpec((1, _NPAD), lambda i: (0, 0))
    cspec = pl.BlockSpec((_BC, 1), lambda i: (i, 0))
    ospec = pl.BlockSpec((_BC, _K), lambda i: (i, 0))
    nbr0, nbr1 = pl.pallas_call(
        _select_kernel,
        grid=grid,
        in_specs=[pspec, pspec, pspec, cspec, cspec, cspec],
        out_specs=[ospec, ospec],
        out_shape=[jax.ShapeDtypeStruct((cpad, _K), jnp.int32)] * 2,
        compiler_params=pltpu.CompilerParams(
            dimension_semantics=("parallel",)),
    )(px, py, pz, cx, cy, cz)
    return (nbr0[:npoint], nbr1[:npoint])



def _conv_out(x, pos, centers_pos, nbr_signed, params):
    (w0, b0), (w1, b1) = params
    valid = nbr_signed >= 0
    nbr = jnp.maximum(nbr_signed, 0)
    d = x.shape[1]
    hp = jax.lax.Precision.HIGHEST
    y = (jnp.dot(x, w0[:d], precision=hp)
         + jnp.dot(pos, w0[d:], precision=hp))
    c_off = b0 - jnp.dot(centers_pos, w0[d:], precision=hp)
    yb = y.astype(jnp.bfloat16)
    a = jnp.maximum(yb[nbr].astype(jnp.float32) + c_off[:, None, :], 0.0)
    m = jnp.maximum(jnp.dot(a, w1, precision=hp) + b1, 0.0)
    m = jnp.where(valid[..., None], m, -jnp.inf)
    out = jnp.max(m, axis=1)
    return jnp.where(jnp.isfinite(out), out, 0.0)


def kernel(x, pos, batch, w0_0, b0_0, w0_1, b0_1, w1_0, b1_0, w1_1, b1_1):
    n = pos.shape[0]
    npoint = int(n * _RATIO)
    idx = _fps_pallas(pos, npoint)
    centers_pos = pos[idx]
    nbrs = _select_pallas(pos, centers_pos)
    params_list = [((w0_0, b0_0), (w0_1, b0_1)), ((w1_0, b1_0), (w1_1, b1_1))]
    outs = []
    for nbr_signed, params in zip(nbrs, params_list):
        outs.append(_conv_out(x, pos, centers_pos, nbr_signed, params))
    new_x = jnp.concatenate(outs, axis=1)
    new_batch = batch[idx]
    return (new_x, centers_pos, new_batch)

# --- scband reference (transcript-rebuilt; emitter-appended) ---
"""Pipeline reference for scband-samodule-msg-79534204387676 (READ-ONLY COPY).

The authoritative reference and input builder live on the scoring server;
editing this copy changes nothing except your own understanding.
"""

import jax, jax.numpy as jnp
import numpy as np

RATIO = 0.25
R_LIST = (0.2, 0.4)
MAX_NEIGHBORS = 128
N_POINTS = 10000
D_FEAT = 128


def _fps(pos, npoint):
    # farthest point sampling, deterministic start at index 0
    N = pos.shape[0]

    def body(i, state):
        dists, idxs = state
        last = idxs[i - 1]
        d = jnp.sum((pos - pos[last]) ** 2, axis=1)
        dists = jnp.minimum(dists, d)
        idxs = idxs.at[i].set(jnp.argmax(dists).astype(jnp.int32))
        return (dists, idxs)

    dists = jnp.full((N,), jnp.inf, dtype=jnp.float32)
    idxs = jnp.zeros((npoint,), dtype=jnp.int32)
    dists, idxs = jax.lax.fori_loop(1, npoint, body, (dists, idxs))
    return idxs


def _radius_neighbors(pos, centers_pos, r, max_n):
    # up to max_n neighbors within radius r for each center (nearest-first)
    d2 = jnp.sum((centers_pos[:, None, :] - pos[None, :, :]) ** 2, axis=-1)  # [C, N]
    within = d2 <= r * r
    neg = jnp.where(within, -d2, -jnp.inf)
    vals, nbr = jax.lax.top_k(neg, max_n)  # [C, max_n]
    valid = vals > -jnp.inf
    return nbr, valid


def _mlp(h, params):
    for (w, b) in params:
        h = jnp.maximum(h @ w + b, 0.0)
    return h


def _pointnet_conv(x, pos, centers_pos, nbr, valid, params):
    # PointNetConv: message = nn(cat([x_j, pos_j - pos_i])), aggr = max
    x_j = x[nbr]                                   # [C, K, D]
    rel = pos[nbr] - centers_pos[:, None, :]       # [C, K, 3]
    h = jnp.concatenate([x_j, rel], axis=-1)       # [C, K, D+3]
    m = _mlp(h, params)                            # [C, K, F]
    m = jnp.where(valid[..., None], m, -jnp.inf)
    out = jnp.max(m, axis=1)
    out = jnp.where(jnp.isfinite(out), out, 0.0)
    return out


def setup_inputs(seed: int = 0):
    key = jax.random.key(seed)
    ks = jax.random.split(key, 8)
    x = jax.random.normal(ks[0], (N_POINTS, D_FEAT), dtype=jnp.float32)
    pos = jax.random.uniform(ks[1], (N_POINTS, 3), dtype=jnp.float32)
    batch = jnp.zeros((N_POINTS,), dtype=jnp.int32)
    s = 0.05
    w0_0 = jax.random.normal(ks[2], (D_FEAT + 3, 64), dtype=jnp.float32) * s
    b0_0 = jnp.zeros((64,), dtype=jnp.float32)
    w0_1 = jax.random.normal(ks[3], (64, 64), dtype=jnp.float32) * s
    b0_1 = jnp.zeros((64,), dtype=jnp.float32)
    w1_0 = jax.random.normal(ks[4], (D_FEAT + 3, 64), dtype=jnp.float32) * s
    b1_0 = jnp.zeros((64,), dtype=jnp.float32)
    w1_1 = jax.random.normal(ks[5], (64, 64), dtype=jnp.float32) * s
    b1_1 = jnp.zeros((64,), dtype=jnp.float32)
    return {"x": x, "pos": pos, "batch": batch,
            "w0_0": w0_0, "b0_0": b0_0, "w0_1": w0_1, "b0_1": b0_1,
            "w1_0": w1_0, "b1_0": b1_0, "w1_1": w1_1, "b1_1": b1_1}


def reference(x, pos, batch, w0_0, b0_0, w0_1, b0_1, w1_0, b1_0, w1_1, b1_1):
    N = pos.shape[0]
    npoint = int(N * RATIO)
    idx = _fps(pos, npoint)
    centers_pos = pos[idx]
    params_list = [((w0_0, b0_0), (w0_1, b0_1)), ((w1_0, b1_0), (w1_1, b1_1))]
    outs = []
    for r, params in zip(R_LIST, params_list):
        nbr, valid = _radius_neighbors(pos, centers_pos, r, MAX_NEIGHBORS)
        outs.append(_pointnet_conv(x, pos, centers_pos, nbr, valid, params))
    new_x = jnp.concatenate(outs, axis=1)
    new_batch = batch[idx]
    return (new_x, centers_pos, new_batch)

if __name__ == "__main__":
    import jax
    _d = setup_inputs()
    print(jax.jit(kernel)(*tuple(_d.values())))

</pallas_src>

<mosaic_0001>
module attributes {stable_mosaic.version = 14 : i64} {
  func.func @_fps_kernel(%arg0: memref<79x128xf32, #tpu.memory_space<vmem>>, %arg1: memref<79x128xf32, #tpu.memory_space<vmem>>, %arg2: memref<79x128xf32, #tpu.memory_space<vmem>>, %arg3: memref<24x128xi32, #tpu.memory_space<vmem>>) attributes {dimension_semantics = [], scalar_prefetch = 0 : i64, scratch_operands = 0 : i64, tpu.core_type = #tpu.core_type<tc>} {
    %iota3A = tpu.iota {dimensions = array<i32: 0>} : vector<79x128xi32>
    %iota3A_0 = tpu.iota {dimensions = array<i32: 1>} : vector<79x128xi32>
    %mul3A = arith.constant 128 : i32
    %mul3A_1 = vector.broadcast %mul3A : i32 to vector<79x128xi32>
    %mul3A_2 = arith.muli %iota3A, %mul3A_1 : vector<79x128xi32>
    %add3A = arith.addi %mul3A_2, %iota3A_0 : vector<79x128xi32>
    %lt3A = arith.constant 10000 : i32
    %lt3A_3 = vector.broadcast %lt3A : i32 to vector<79x128xi32>
    %lt3A_4 = arith.cmpi slt, %add3A, %lt3A_3 : vector<79x128xi32>
    %get3A = arith.constant 0 : index
    %get3A_5 = arith.constant 0 : index
    %get3A_6 = vector.load %arg0[%get3A, %get3A_5] : memref<79x128xf32, #tpu.memory_space<vmem>>, vector<79x128xf32>
    %get3A_7 = arith.constant 0 : index
    %get3A_8 = arith.constant 0 : index
    %get3A_9 = vector.load %arg1[%get3A_7, %get3A_8] : memref<79x128xf32, #tpu.memory_space<vmem>>, vector<79x128xf32>
    %get3A_10 = arith.constant 0 : index
    %get3A_11 = arith.constant 0 : index
    %get3A_12 = vector.load %arg2[%get3A_10, %get3A_11] : memref<79x128xf32, #tpu.memory_space<vmem>>, vector<79x128xf32>
    %broadcast_in_dim3A = arith.constant 0.000000e+00 : f32
    %broadcast_in_dim3A_13 = vector.broadcast %broadcast_in_dim3A : f32 to vector<79x128xf32>
    %eq3A = arith.constant 0 : i32
    %eq3A_14 = vector.broadcast %eq3A : i32 to vector<79x128xi32>
    %eq3A_15 = arith.cmpi eq, %add3A, %eq3A_14 : vector<79x128xi32>
    %select_n3A = arith.select %eq3A_15, %get3A_6, %broadcast_in_dim3A_13 : vector<79x128xi1>, vector<79x128xf32>
    %reduce_sum3A = vector.shape_cast %select_n3A : vector<79x128xf32> to vector<1x79x128xf32>
    %reduce_sum3A_16 = arith.constant dense<0.000000e+00> : vector<1xf32>
    %reduce_sum3A_17 = vector.multi_reduction <add>, %reduce_sum3A, %reduce_sum3A_16 [1, 2] : vector<1x79x128xf32> to vector<1xf32>
    %reduce_sum3A_18 = vector.shape_cast %reduce_sum3A_17 : vector<1xf32> to vector<1x1x1xf32>
    %reduce_sum3A_19 = vector.extract %reduce_sum3A_18[0, 0, 0] : f32 from vector<1x1x1xf32>
    %broadcast_in_dim3A_20 = vector.broadcast %reduce_sum3A_19 : f32 to vector<1x1xf32>
    %select_n3A_21 = arith.select %eq3A_15, %get3A_9, %broadcast_in_dim3A_13 : vector<79x128xi1>, vector<79x128xf32>
    %reduce_sum3A_22 = vector.shape_cast %select_n3A_21 : vector<79x128xf32> to vector<1x79x128xf32>
    %reduce_sum3A_23 = arith.constant dense<0.000000e+00> : vector<1xf32>
    %reduce_sum3A_24 = vector.multi_reduction <add>, %reduce_sum3A_22, %reduce_sum3A_23 [1, 2] : vector<1x79x128xf32> to vector<1xf32>
    %reduce_sum3A_25 = vector.shape_cast %reduce_sum3A_24 : vector<1xf32> to vector<1x1x1xf32>
    %reduce_sum3A_26 = vector.extract %reduce_sum3A_25[0, 0, 0] : f32 from vector<1x1x1xf32>
    %broadcast_in_dim3A_27 = vector.broadcast %reduce_sum3A_26 : f32 to vector<1x1xf32>
    %select_n3A_28 = arith.select %eq3A_15, %get3A_12, %broadcast_in_dim3A_13 : vector<79x128xi1>, vector<79x128xf32>
    %reduce_sum3A_29 = vector.shape_cast %select_n3A_28 : vector<79x128xf32> to vector<1x79x128xf32>
    %reduce_sum3A_30 = arith.constant dense<0.000000e+00> : vector<1xf32>
    %reduce_sum3A_31 = vector.multi_reduction <add>, %reduce_sum3A_29, %reduce_sum3A_30 [1, 2] : vector<1x79x128xf32> to vector<1xf32>
    %reduce_sum3A_32 = vector.shape_cast %reduce_sum3A_31 : vector<1xf32> to vector<1x1x1xf32>
    %reduce_sum3A_33 = vector.extract %reduce_sum3A_32[0, 0, 0] : f32 from vector<1x1x1xf32>
    %broadcast_in_dim3A_34 = vector.broadcast %reduce_sum3A_33 : f32 to vector<1x1xf32>
    %neg3A = arith.constant 0.000000e+00 : f32
    %neg3A_35 = arith.constant 0x7F800000 : f32
    %neg3A_36 = arith.subf %neg3A, %neg3A_35 : f32
    %jit3A = arith.constant 0x7F800000 : f32
    %broadcast_in_dim3A_37 = vector.broadcast %jit3A : f32 to vector<79x128xf32>
    %broadcast_in_dim3A_38 = vector.broadcast %neg3A_36 : f32 to vector<79x128xf32>
    %select_n3A_39 = arith.select %lt3A_4, %broadcast_in_dim3A_37, %broadcast_in_dim3A_38 : vector<79x128xi1>, vector<79x128xf32>
    %iota3A_40 = tpu.iota {dimensions = array<i32: 0>} : vector<8x128xi32>
    %mul3A_41 = arith.constant 128 : i32
    %mul3A_42 = vector.broadcast %mul3A_41 : i32 to vector<8x128xi32>
    %mul3A_43 = arith.muli %iota3A_40, %mul3A_42 : vector<8x128xi32>
    %iota3A_44 = tpu.iota {dimensions = array<i32: 1>} : vector<8x128xi32>
    %add3A_45 = arith.addi %mul3A_43, %iota3A_44 : vector<8x128xi32>
    %broadcast_in_dim3A_46 = arith.constant 0 : i32
    %broadcast_in_dim3A_47 = vector.broadcast %broadcast_in_dim3A_46 : i32 to vector<8x128xi32>
    %scan3A = arith.constant 1073741824 : i32
    %scan3A_48 = arith.constant 1 : i32
    %scan3A_49 = arith.constant 2499 : i32
    %scan3A_50 = arith.addi %scan3A_48, %scan3A_49 : i32
    %scan3A_51 = arith.constant 1 : i32
    %scan3A_52:5 = scf.for %scan3A_56 = %scan3A_48 to %scan3A_50 step %scan3A_51 iter_args(%scan3A_57 = %select_n3A_39, %scan3A_58 = %broadcast_in_dim3A_20, %scan3A_59 = %broadcast_in_dim3A_27, %scan3A_60 = %broadcast_in_dim3A_34, %scan3A_61 = %broadcast_in_dim3A_47) -> (vector<79x128xf32>, vector<1x1xf32>, vector<1x1xf32>, vector<1x1xf32>, vector<8x128xi32>)  : i32 {
      %sub3A = vector.broadcast %scan3A_58 : vector<1x1xf32> to vector<79x128xf32>
      %sub3A_62 = arith.subf %get3A_6, %sub3A : vector<79x128xf32>
      %sub3A_63 = vector.broadcast %scan3A_59 : vector<1x1xf32> to vector<79x128xf32>
      %sub3A_64 = arith.subf %get3A_9, %sub3A_63 : vector<79x128xf32>
      %sub3A_65 = vector.broadcast %scan3A_60 : vector<1x1xf32> to vector<79x128xf32>
      %sub3A_66 = arith.subf %get3A_12, %sub3A_65 : vector<79x128xf32>
      %mul3A_67 = arith.mulf %sub3A_62, %sub3A_62 : vector<79x128xf32>
      %mul3A_68 = arith.mulf %sub3A_64, %sub3A_64 : vector<79x128xf32>
      %add3A_69 = arith.addf %mul3A_67, %mul3A_68 : vector<79x128xf32>
      %mul3A_70 = arith.mulf %sub3A_66, %sub3A_66 : vector<79x128xf32>
      %add3A_71 = arith.addf %add3A_69, %mul3A_70 : vector<79x128xf32>
      %min3A = arith.minimumf %scan3A_57, %add3A_71 : vector<79x128xf32>
      %reduce_max3A = vector.shape_cast %min3A : vector<79x128xf32> to vector<1x79x128xf32>
      %reduce_max3A_72 = arith.constant dense<0xFF800000> : vector<1xf32>
      %reduce_max3A_73 = vector.multi_reduction <maximumf>, %reduce_max3A, %reduce_max3A_72 [1, 2] : vector<1x79x128xf32> to vector<1xf32>
      %reduce_max3A_74 = vector.shape_cast %reduce_max3A_73 : vector<1xf32> to vector<1x1x1xf32>
      %reduce_max3A_75 = vector.extract %reduce_max3A_74[0, 0, 0] : f32 from vector<1x1x1xf32>
      %broadcast_in_dim3A_76 = vector.broadcast %reduce_max3A_75 : f32 to vector<1x1xf32>
      %eq3A_77 = vector.broadcast %broadcast_in_dim3A_76 : vector<1x1xf32> to vector<79x128xf32>
      %eq3A_78 = arith.cmpf oeq, %min3A, %eq3A_77 : vector<79x128xf32>
      %broadcast_in_dim3A_79 = vector.broadcast %scan3A : i32 to vector<79x128xi32>
      %select_n3A_80 = arith.select %eq3A_78, %add3A, %broadcast_in_dim3A_79 : vector<79x128xi1>, vector<79x128xi32>
      %reduce_min3A = vector.shape_cast %select_n3A_80 : vector<79x128xi32> to vector<1x79x128xi32>
      %reduce_min3A_81 = arith.constant dense<2147483647> : vector<1xi32>
      %reduce_min3A_82 = vector.multi_reduction <minsi>, %reduce_min3A, %reduce_min3A_81 [1, 2] : vector<1x79x128xi32> to vector<1xi32>
      %reduce_min3A_83 = vector.shape_cast %reduce_min3A_82 : vector<1xi32> to vector<1x1x1xi32>
      %reduce_min3A_84 = vector.extract %reduce_min3A_83[0, 0, 0] : i32 from vector<1x1x1xi32>
      %broadcast_in_dim3A_85 = vector.broadcast %reduce_min3A_84 : i32 to vector<1x1xi32>
      %and3A = arith.constant 1023 : i32
      %and3A_86 = arith.andi %scan3A_56, %and3A : i32
      %eq3A_87 = vector.broadcast %and3A_86 : i32 to vector<8x128xi32>
      %eq3A_88 = arith.cmpi eq, %add3A_45, %eq3A_87 : vector<8x128xi32>
      %broadcast_in_dim3A_89 = vector.shape_cast %broadcast_in_dim3A_85 : vector<1x1xi32> to vector<1x1xi32>
      %broadcast_in_dim3A_90 = vector.broadcast %broadcast_in_dim3A_89 : vector<1x1xi32> to vector<8x128xi32>
      %select_n3A_91 = arith.select %eq3A_88, %broadcast_in_dim3A_90, %scan3A_61 : vector<8x128xi1>, vector<8x128xi32>
      %and3A_92 = arith.constant 1023 : i32
      %and3A_93 = arith.andi %scan3A_56, %and3A_92 : i32
      %eq3A_94 = arith.constant 1023 : i32
      %eq3A_95 = arith.cmpi eq, %and3A_93, %eq3A_94 : i32
      %convert_element_type3A = arith.extui %eq3A_95 : i1 to i32
      %cond3A = arith.constant 0 : i32
      %cond3A_96 = arith.cmpi ne, %convert_element_type3A, %cond3A : i32
      scf.if %cond3A_96 {
        %shift_right_arithmetic3A = arith.constant 10 : i32
        %shift_right_arithmetic3A_120 = arith.shrsi %scan3A_56, %shift_right_arithmetic3A : i32
        %mul3A_121 = arith.constant 8 : i32
        %mul3A_122 = arith.muli %shift_right_arithmetic3A_120, %mul3A_121 : i32
        %swap3A_123 = arith.index_cast %mul3A_122 : i32 to index
        %swap3A_124 = arith.constant 0 : index
        %swap3A_125 = vector.load %arg3[%swap3A_123, %swap3A_124] : memref<24x128xi32, #tpu.memory_space<vmem>>, vector<8x128xi32>
        tpu.vector_store %arg3[%swap3A_123, %swap3A_124], %select_n3A_91 {strides = array<i32>} : memref<24x128xi32, #tpu.memory_space<vmem>>, vector<8x128xi32>,
      } else {
      }
      %eq3A_97 = vector.broadcast %broadcast_in_dim3A_85 : vector<1x1xi32> to vector<79x128xi32>
      %eq3A_98 = arith.cmpi eq, %add3A, %eq3A_97 : vector<79x128xi32>
      %select_n3A_99 = arith.select %eq3A_98, %get3A_6, %broadcast_in_dim3A_13 : vector<79x128xi1>, vector<79x128xf32>
      %reduce_sum3A_100 = vector.shape_cast %select_n3A_99 : vector<79x128xf32> to vector<1x79x128xf32>
      %reduce_sum3A_101 = arith.constant dense<0.000000e+00> : vector<1xf32>
      %reduce_sum3A_102 = vector.multi_reduction <add>, %reduce_sum3A_100, %reduce_sum3A_101 [1, 2] : vector<1x79x128xf32> to vector<1xf32>
      %reduce_sum3A_103 = vector.shape_cast %reduce_sum3A_102 : vector<1xf32> to vector<1x1x1xf32>
      %reduce_sum3A_104 = vector.extract %reduce_sum3A_103[0, 0, 0] : f32 from vector<1x1x1xf32>
      %broadcast_in_dim3A_105 = vector.broadcast %reduce_sum3A_104 : f32 to vector<1x1xf32>
      %select_n3A_106 = arith.select %eq3A_98, %get3A_9, %broadcast_in_dim3A_13 : vector<79x128xi1>, vector<79x128xf32>
      %reduce_sum3A_107 = vector.shape_cast %select_n3A_106 : vector<79x128xf32> to vector<1x79x128xf32>
      %reduce_sum3A_108 = arith.constant dense<0.000000e+00> : vector<1xf32>
      %reduce_sum3A_109 = vector.multi_reduction <add>, %reduce_sum3A_107, %reduce_sum3A_108 [1, 2] : vector<1x79x128xf32> to vector<1xf32>
      %reduce_sum3A_110 = vector.shape_cast %reduce_sum3A_109 : vector<1xf32> to vector<1x1x1xf32>
      %reduce_sum3A_111 = vector.extract %reduce_sum3A_110[0, 0, 0] : f32 from vector<1x1x1xf32>
      %broadcast_in_dim3A_112 = vector.broadcast %reduce_sum3A_111 : f32 to vector<1x1xf32>
      %select_n3A_113 = arith.select %eq3A_98, %get3A_12, %broadcast_in_dim3A_13 : vector<79x128xi1>, vector<79x128xf32>
      %reduce_sum3A_114 = vector.shape_cast %select_n3A_113 : vector<79x128xf32> to vector<1x79x128xf32>
      %reduce_sum3A_115 = arith.constant dense<0.000000e+00> : vector<1xf32>
      %reduce_sum3A_116 = vector.multi_reduction <add>, %reduce_sum3A_114, %reduce_sum3A_115 [1, 2] : vector<1x79x128xf32> to vector<1xf32>
      %reduce_sum3A_117 = vector.shape_cast %reduce_sum3A_116 : vector<1xf32> to vector<1x1x1xf32>
      %reduce_sum3A_118 = vector.extract %reduce_sum3A_117[0, 0, 0] : f32 from vector<1x1x1xf32>
      %broadcast_in_dim3A_119 = vector.broadcast %reduce_sum3A_118 : f32 to vector<1x1xf32>
      scf.yield %min3A, %broadcast_in_dim3A_105, %broadcast_in_dim3A_112, %broadcast_in_dim3A_119, %select_n3A_91 : vector<79x128xf32>, vector<1x1xf32>, vector<1x1xf32>, vector<1x1xf32>, vector<8x128xi32>
    }
    %scan3A_53 = arith.constant 2499 : i32
    %swap3A = arith.constant 16 : index
    %swap3A_54 = arith.constant 0 : index
    %swap3A_55 = vector.load %arg3[%swap3A, %swap3A_54] : memref<24x128xi32, #tpu.memory_space<vmem>>, vector<8x128xi32>
    tpu.vector_store %arg3[%swap3A, %swap3A_54], %scan3A_52#4 {strides = array<i32>} : memref<24x128xi32, #tpu.memory_space<vmem>>, vector<8x128xi32>,
    return
  }
}

module attributes {stable_mosaic.version = 14 : i64} {
  func.func @_select_kernel(%arg0: i32, %arg1: memref<1x10240xf32, #tpu.memory_space<vmem>>, %arg2: memref<1x10240xf32, #tpu.memory_space<vmem>>, %arg3: memref<1x10240xf32, #tpu.memory_space<vmem>>, %arg4: memref<16x1xf32, #tpu.memory_space<vmem>>, %arg5: memref<16x1xf32, #tpu.memory_space<vmem>>, %arg6: memref<16x1xf32, #tpu.memory_space<vmem>>, %arg7: memref<16x128xi32, #tpu.memory_space<vmem>>, %arg8: memref<16x128xi32, #tpu.memory_space<vmem>>) attributes {dimension_semantics = [#tpu.dimension_semantics<parallel>], iteration_bounds = array<i64: 157>, scalar_prefetch = 0 : i64, scratch_operands = 0 : i64, tpu.core_type = #tpu.core_type<tc>, window_params = [{pipeline_mode = #tpu.pipeline_mode<synchronous>, transform_indices = @transform_0, window_bounds = array<i64: 1, 10240>}, {pipeline_mode = #tpu.pipeline_mode<synchronous>, transform_indices = @transform_1, window_bounds = array<i64: 1, 10240>}, {pipeline_mode = #tpu.pipeline_mode<synchronous>, transform_indices = @transform_2, window_bounds = array<i64: 1, 10240>}, {transform_indices = @transform_3, window_bounds = array<i64: 16, 1>}, {transform_indices = @transform_4, window_bounds = array<i64: 16, 1>}, {transform_indices = @transform_5, window_bounds = array<i64: 16, 1>}, {transform_indices = @transform_6, window_bounds = array<i64: 16, 128>}, {transform_indices = @transform_7, window_bounds = array<i64: 16, 128>}]} {
    %get3A = arith.constant 0 : index
    %get3A_0 = arith.constant 0 : index
    %get3A_1 = vector.load %arg1[%get3A, %get3A_0] : memref<1x10240xf32, #tpu.memory_space<vmem>>, vector<1x10240xf32>
    %get3A_2 = arith.constant 0 : index
    %get3A_3 = arith.constant 0 : index
    %get3A_4 = vector.load %arg2[%get3A_2, %get3A_3] : memref<1x10240xf32, #tpu.memory_space<vmem>>, vector<1x10240xf32>
    %get3A_5 = arith.constant 0 : index
    %get3A_6 = arith.constant 0 : index
    %get3A_7 = vector.load %arg3[%get3A_5, %get3A_6] : memref<1x10240xf32, #tpu.memory_space<vmem>>, vector<1x10240xf32>
    %get3A_8 = arith.constant 0 : index
    %get3A_9 = arith.constant 0 : index
    %get3A_10 = vector.load %arg4[%get3A_8, %get3A_9] : memref<16x1xf32, #tpu.memory_space<vmem>>, vector<16x1xf32>
    %get3A_11 = arith.constant 0 : index
    %get3A_12 = arith.constant 0 : index
    %get3A_13 = vector.load %arg5[%get3A_11, %get3A_12] : memref<16x1xf32, #tpu.memory_space<vmem>>, vector<16x1xf32>
    %get3A_14 = arith.constant 0 : index
    %get3A_15 = arith.constant 0 : index
    %get3A_16 = vector.load %arg6[%get3A_14, %get3A_15] : memref<16x1xf32, #tpu.memory_space<vmem>>, vector<16x1xf32>
    %sub3A = vector.broadcast %get3A_1 : vector<1x10240xf32> to vector<16x10240xf32>
    %sub3A_17 = vector.broadcast %get3A_10 : vector<16x1xf32> to vector<16x10240xf32>
    %sub3A_18 = arith.subf %sub3A, %sub3A_17 : vector<16x10240xf32>
    %sub3A_19 = vector.broadcast %get3A_4 : vector<1x10240xf32> to vector<16x10240xf32>
    %sub3A_20 = vector.broadcast %get3A_13 : vector<16x1xf32> to vector<16x10240xf32>
    %sub3A_21 = arith.subf %sub3A_19, %sub3A_20 : vector<16x10240xf32>
    %sub3A_22 = vector.broadcast %get3A_7 : vector<1x10240xf32> to vector<16x10240xf32>
    %sub3A_23 = vector.broadcast %get3A_16 : vector<16x1xf32> to vector<16x10240xf32>
    %sub3A_24 = arith.subf %sub3A_22, %sub3A_23 : vector<16x10240xf32>
    %mul3A = arith.mulf %sub3A_18, %sub3A_18 : vector<16x10240xf32>
    %mul3A_25 = arith.mulf %sub3A_21, %sub3A_21 : vector<16x10240xf32>
    %add3A = arith.addf %mul3A, %mul3A_25 : vector<16x10240xf32>
    %mul3A_26 = arith.mulf %sub3A_24, %sub3A_24 : vector<16x10240xf32>
    %add3A_27 = arith.addf %add3A, %mul3A_26 : vector<16x10240xf32>
    %iota3A = tpu.iota {dimensions = array<i32: 1>} : vector<16x10240xi32>
    %bitcast3A = tpu.bitcast %add3A_27 : vector<16x10240xf32> -> vector<16x10240xi32>
    %lt3A = arith.constant 10000 : i32
    %lt3A_28 = vector.broadcast %lt3A : i32 to vector<16x10240xi32>
    %lt3A_29 = arith.cmpi slt, %iota3A, %lt3A_28 : vector<16x10240xi32>
    %jit3A = arith.constant 2139095040 : i32
    %broadcast_in_dim3A = vector.broadcast %jit3A : i32 to vector<16x10240xi32>
    %select_n3A = arith.select %lt3A_29, %bitcast3A, %broadcast_in_dim3A : vector<16x10240xi1>, vector<16x10240xi32>
    %broadcast_in_dim3A_30 = arith.constant 0 : i32
    %broadcast_in_dim3A_31 = vector.broadcast %broadcast_in_dim3A_30 : i32 to vector<16x1xi32>
    %broadcast_in_dim3A_32 = arith.constant 1025758986 : i32
    %broadcast_in_dim3A_33 = vector.broadcast %broadcast_in_dim3A_32 : i32 to vector<16x1xi32>
    %scan3A = arith.constant 128 : i32
    %scan3A_34 = arith.constant 0 : i32
    %scan3A_35 = arith.constant 31 : i32
    %scan3A_36 = arith.addi %scan3A_34, %scan3A_35 : i32
    %scan3A_37 = arith.constant 1 : i32
    %scan3A_38:2 = scf.for %scan3A_926 = %scan3A_34 to %scan3A_36 step %scan3A_37 iter_args(%scan3A_927 = %broadcast_in_dim3A_31, %scan3A_928 = %broadcast_in_dim3A_33) -> (vector<16x1xi32>, vector<16x1xi32>)  : i32 {
      %add3A_929 = arith.addi %scan3A_927, %scan3A_928 : vector<16x1xi32>
      %shift_right_arithmetic3A_930 = arith.constant 1 : i32
      %shift_right_arithmetic3A_931 = vector.broadcast %shift_right_arithmetic3A_930 : i32 to vector<16x1xi32>
      %shift_right_arithmetic3A_932 = arith.shrsi %add3A_929, %shift_right_arithmetic3A_931 : vector<16x1xi32>
      %le3A_933 = vector.broadcast %shift_right_arithmetic3A_932 : vector<16x1xi32> to vector<16x10240xi32>
      %le3A_934 = arith.cmpi sle, %select_n3A, %le3A_933 : vector<16x10240xi32>
      %convert_element_type3A_935 = arith.extui %le3A_934 : vector<16x10240xi1> to vector<16x10240xi32>
      %reduce_sum3A = arith.constant dense<0> : vector<16xi32>
      %reduce_sum3A_936 = vector.multi_reduction <add>, %convert_element_type3A_935, %reduce_sum3A [1] : vector<16x10240xi32> to vector<16xi32>
      %broadcast_in_dim3A_937 = vector.shape_cast %reduce_sum3A_936 : vector<16xi32> to vector<16x1xi32>
      %ge3A = vector.broadcast %scan3A : i32 to vector<16x1xi32>
      %ge3A_938 = arith.cmpi sge, %broadcast_in_dim3A_937, %ge3A : vector<16x1xi32>
      %add3A_939 = arith.constant 1 : i32
      %add3A_940 = vector.broadcast %add3A_939 : i32 to vector<16x1xi32>
      %add3A_941 = arith.addi %shift_right_arithmetic3A_932, %add3A_940 : vector<16x1xi32>
      %select_n3A_942 = arith.select %ge3A_938, %scan3A_927, %add3A_941 : vector<16x1xi1>, vector<16x1xi32>
      %select_n3A_943 = arith.select %ge3A_938, %shift_right_arithmetic3A_932, %scan3A_928 : vector<16x1xi1>, vector<16x1xi32>
      scf.yield %select_n3A_942, %select_n3A_943 : vector<16x1xi32>, vector<16x1xi32>
    }
    %le3A = vector.broadcast %scan3A_38#1 : vector<16x1xi32> to vector<16x10240xi32>
    %le3A_39 = arith.cmpi sle, %select_n3A, %le3A : vector<16x10240xi32>
    %convert_element_type3A = arith.extui %le3A_39 : vector<16x10240xi1> to vector<16x10240xi32>
    %broadcast_in_dim3A_40 = arith.constant 0 : i32
    %broadcast_in_dim3A_41 = vector.broadcast %broadcast_in_dim3A_40 : i32 to vector<16x1xi32>
    %slice3A = vector.extract_strided_slice %convert_element_type3A {offsets = [0, 0], sizes = [16, 10239], strides = [1, 1]} : vector<16x10240xi32> to vector<16x10239xi32>
    %concatenate3A = tpu.concatenate %broadcast_in_dim3A_41, %slice3A in 1 : vector<16x1xi32>, vector<16x10239xi32> -> vector<16x10240xi32>
    %add3A_42 = arith.addi %convert_element_type3A, %concatenate3A : vector<16x10240xi32>
    %broadcast_in_dim3A_43 = arith.constant 0 : i32
    %broadcast_in_dim3A_44 = vector.broadcast %broadcast_in_dim3A_43 : i32 to vector<16x2xi32>
    %slice3A_45 = vector.extract_strided_slice %add3A_42 {offsets = [0, 0], sizes = [16, 10238], strides = [1, 1]} : vector<16x10240xi32> to vector<16x10238xi32>
    %concatenate3A_46 = tpu.concatenate %broadcast_in_dim3A_44, %slice3A_45 in 1 : vector<16x2xi32>, vector<16x10238xi32> -> vector<16x10240xi32>
    %add3A_47 = arith.addi %add3A_42, %concatenate3A_46 : vector<16x10240xi32>
    %broadcast_in_dim3A_48 = arith.constant 0 : i32
    %broadcast_in_dim3A_49 = vector.broadcast %broadcast_in_dim3A_48 : i32 to vector<16x4xi32>
    %slice3A_50 = vector.extract_strided_slice %add3A_47 {offsets = [0, 0], sizes = [16, 10236], strides = [1, 1]} : vector<16x10240xi32> to vector<16x10236xi32>
    %concatenate3A_51 = tpu.concatenate %broadcast_in_dim3A_49, %slice3A_50 in 1 : vector<16x4xi32>, vector<16x10236xi32> -> vector<16x10240xi32>
    %add3A_52 = arith.addi %add3A_47, %concatenate3A_51 : vector<16x10240xi32>
    %broadcast_in_dim3A_53 = arith.constant 0 : i32
    %broadcast_in_dim3A_54 = vector.broadcast %broadcast_in_dim3A_53 : i32 to vector<16x8xi32>
    %slice3A_55 = vector.extract_strided_slice %add3A_52 {offsets = [0, 0], sizes = [16, 10232], strides = [1, 1]} : vector<16x10240xi32> to vector<16x10232xi32>
    %concatenate3A_56 = tpu.concatenate %broadcast_in_dim3A_54, %slice3A_55 in 1 : vector<16x8xi32>, vector<16x10232xi32> -> vector<16x10240xi32>
    %add3A_57 = arith.addi %add3A_52, %concatenate3A_56 : vector<16x10240xi32>
    %broadcast_in_dim3A_58 = arith.constant 0 : i32
    %broadcast_in_dim3A_59 = vector.broadcast %broadcast_in_dim3A_58 : i32 to vector<16x16xi32>
    %slice3A_60 = vector.extract_strided_slice %add3A_57 {offsets = [0, 0], sizes = [16, 10224], strides = [1, 1]} : vector<16x10240xi32> to vector<16x10224xi32>
    %concatenate3A_61 = tpu.concatenate %broadcast_in_dim3A_59, %slice3A_60 in 1 : vector<16x16xi32>, vector<16x10224xi32> -> vector<16x10240xi32>
    %add3A_62 = arith.addi %add3A_57, %concatenate3A_61 : vector<16x10240xi32>
    %broadcast_in_dim3A_63 = arith.constant 0 : i32
    %broadcast_in_dim3A_64 = vector.broadcast %broadcast_in_dim3A_63 : i32 to vector<16x32xi32>
    %slice3A_65 = vector.extract_strided_slice %add3A_62 {offsets = [0, 0], sizes = [16, 10208], strides = [1, 1]} : vector<16x10240xi32> to vector<16x10208xi32>
    %concatenate3A_66 = tpu.concatenate %broadcast_in_dim3A_64, %slice3A_65 in 1 : vector<16x32xi32>, vector<16x10208xi32> -> vector<16x10240xi32>
    %add3A_67 = arith.addi %add3A_62, %concatenate3A_66 : vector<16x10240xi32>
    %broadcast_in_dim3A_68 = arith.constant 0 : i32
    %broadcast_in_dim3A_69 = vector.broadcast %broadcast_in_dim3A_68 : i32 to vector<16x64xi32>
    %slice3A_70 = vector.extract_strided_slice %add3A_67 {offsets = [0, 0], sizes = [16, 10176], strides = [1, 1]} : vector<16x10240xi32> to vector<16x10176xi32>
    %concatenate3A_71 = tpu.concatenate %broadcast_in_dim3A_69, %slice3A_70 in 1 : vector<16x64xi32>, vector<16x10176xi32> -> vector<16x10240xi32>
    %add3A_72 = arith.addi %add3A_67, %concatenate3A_71 : vector<16x10240xi32>
    %broadcast_in_dim3A_73 = arith.constant 0 : i32
    %broadcast_in_dim3A_74 = vector.broadcast %broadcast_in_dim3A_73 : i32 to vector<16x128xi32>
    %slice3A_75 = vector.extract_strided_slice %add3A_72 {offsets = [0, 0], sizes = [16, 10112], strides = [1, 1]} : vector<16x10240xi32> to vector<16x10112xi32>
    %concatenate3A_76 = tpu.concatenate %broadcast_in_dim3A_74, %slice3A_75 in 1 : vector<16x128xi32>, vector<16x10112xi32> -> vector<16x10240xi32>
    %add3A_77 = arith.addi %add3A_72, %concatenate3A_76 : vector<16x10240xi32>
    %broadcast_in_dim3A_78 = arith.constant 0 : i32
    %broadcast_in_dim3A_79 = vector.broadcast %broadcast_in_dim3A_78 : i32 to vector<16x256xi32>
    %slice3A_80 = vector.extract_strided_slice %add3A_77 {offsets = [0, 0], sizes = [16, 9984], strides = [1, 1]} : vector<16x10240xi32> to vector<16x9984xi32>
    %concatenate3A_81 = tpu.concatenate %broadcast_in_dim3A_79, %slice3A_80 in 1 : vector<16x256xi32>, vector<16x9984xi32> -> vector<16x10240xi32>
    %add3A_82 = arith.addi %add3A_77, %concatenate3A_81 : vector<16x10240xi32>
    %broadcast_in_dim3A_83 = arith.constant 0 : i32
    %broadcast_in_dim3A_84 = vector.broadcast %broadcast_in_dim3A_83 : i32 to vector<16x512xi32>
    %slice3A_85 = vector.extract_strided_slice %add3A_82 {offsets = [0, 0], sizes = [16, 9728], strides = [1, 1]} : vector<16x10240xi32> to vector<16x9728xi32>
    %concatenate3A_86 = tpu.concatenate %broadcast_in_dim3A_84, %slice3A_85 in 1 : vector<16x512xi32>, vector<16x9728xi32> -> vector<16x10240xi32>
    %add3A_87 = arith.addi %add3A_82, %concatenate3A_86 : vector<16x10240xi32>
    %broadcast_in_dim3A_88 = arith.constant 0 : i32
    %broadcast_in_dim3A_89 = vector.broadcast %broadcast_in_dim3A_88 : i32 to vector<16x1024xi32>
    %slice3A_90 = vector.extract_strided_slice %add3A_87 {offsets = [0, 0], sizes = [16, 9216], strides = [1, 1]} : vector<16x10240xi32> to vector<16x9216xi32>
    %concatenate3A_91 = tpu.concatenate %broadcast_in_dim3A_89, %slice3A_90 in 1 : vector<16x1024xi32>, vector<16x9216xi32> -> vector<16x10240xi32>
    %add3A_92 = arith.addi %add3A_87, %concatenate3A_91 : vector<16x10240xi32>
    %broadcast_in_dim3A_93 = arith.constant 0 : i32
    %broadcast_in_dim3A_94 = vector.broadcast %broadcast_in_dim3A_93 : i32 to vector<16x2048xi32>
    %slice3A_95 = vector.extract_strided_slice %add3A_92 {offsets = [0, 0], sizes = [16, 8192], strides = [1, 1]} : vector<16x10240xi32> to vector<16x8192xi32>
    %concatenate3A_96 = tpu.concatenate %broadcast_in_dim3A_94, %slice3A_95 in 1 : vector<16x2048xi32>, vector<16x8192xi32> -> vector<16x10240xi32>
    %add3A_97 = arith.addi %add3A_92, %concatenate3A_96 : vector<16x10240xi32>
    %broadcast_in_dim3A_98 = arith.constant 0 : i32
    %broadcast_in_dim3A_99 = vector.broadcast %broadcast_in_dim3A_98 : i32 to vector<16x4096xi32>
    %slice3A_100 = vector.extract_strided_slice %add3A_97 {offsets = [0, 0], sizes = [16, 6144], strides = [1, 1]} : vector<16x10240xi32> to vector<16x6144xi32>
    %concatenate3A_101 = tpu.concatenate %broadcast_in_dim3A_99, %slice3A_100 in 1 : vector<16x4096xi32>, vector<16x6144xi32> -> vector<16x10240xi32>
    %add3A_102 = arith.addi %add3A_97, %concatenate3A_101 : vector<16x10240xi32>
    %broadcast_in_dim3A_103 = arith.constant 0 : i32
    %broadcast_in_dim3A_104 = vector.broadcast %broadcast_in_dim3A_103 : i32 to vector<16x8192xi32>
    %slice3A_105 = vector.extract_strided_slice %add3A_102 {offsets = [0, 0], sizes = [16, 2048], strides = [1, 1]} : vector<16x10240xi32> to vector<16x2048xi32>
    %concatenate3A_106 = tpu.concatenate %broadcast_in_dim3A_104, %slice3A_105 in 1 : vector<16x8192xi32>, vector<16x2048xi32> -> vector<16x10240xi32>
    %add3A_107 = arith.addi %add3A_102, %concatenate3A_106 : vector<16x10240xi32>
    %sub3A_108 = arith.subi %add3A_107, %convert_element_type3A : vector<16x10240xi32>
    %shift_left3A = arith.constant 16 : i32
    %shift_left3A_109 = vector.broadcast %shift_left3A : i32 to vector<16x10240xi32>
    %shift_left3A_110 = arith.shli %sub3A_108, %shift_left3A_109 : vector<16x10240xi32>
    %add3A_111 = arith.constant 1 : i32
    %add3A_112 = vector.broadcast %add3A_111 : i32 to vector<16x10240xi32>
    %add3A_113 = arith.addi %iota3A, %add3A_112 : vector<16x10240xi32>
    %or3A = arith.ori %shift_left3A_110, %add3A_113 : vector<16x10240xi32>
    %jit3A_114 = arith.constant 0 : i32
    %broadcast_in_dim3A_115 = vector.broadcast %jit3A_114 : i32 to vector<16x10240xi32>
    %select_n3A_116 = arith.select %le3A_39, %or3A, %broadcast_in_dim3A_115 : vector<16x10240xi1>, vector<16x10240xi32>
    %gt3A = arith.constant 0 : i32
    %gt3A_117 = vector.broadcast %gt3A : i32 to vector<16x10240xi32>
    %gt3A_118 = arith.cmpi sgt, %select_n3A_116, %gt3A_117 : vector<16x10240xi32>
    %shift_right_arithmetic3A = arith.constant 16 : i32
    %shift_right_arithmetic3A_119 = vector.broadcast %shift_right_arithmetic3A : i32 to vector<16x10240xi32>
    %shift_right_arithmetic3A_120 = arith.shrsi %select_n3A_116, %shift_right_arithmetic3A_119 : vector<16x10240xi32>
    %sub3A_121 = arith.subi %iota3A, %shift_right_arithmetic3A_120 : vector<16x10240xi32>
    %and3A = arith.constant 1 : i32
    %and3A_122 = vector.broadcast %and3A : i32 to vector<16x10240xi32>
    %and3A_123 = arith.andi %sub3A_121, %and3A_122 : vector<16x10240xi32>
    %ne3A = arith.constant 0 : i32
    %ne3A_124 = vector.broadcast %ne3A : i32 to vector<16x10240xi32>
    %ne3A_125 = arith.cmpi ne, %and3A_123, %ne3A_124 : vector<16x10240xi32>
    %and3A_126 = arith.andi %gt3A_118, %ne3A_125 : vector<16x10240xi1>
    %jit3A_127 = arith.constant 0 : i32
    %broadcast_in_dim3A_128 = vector.broadcast %jit3A_127 : i32 to vector<16x10240xi32>
    %select_n3A_129 = arith.select %and3A_126, %select_n3A_116, %broadcast_in_dim3A_128 : vector<16x10240xi1>, vector<16x10240xi32>
    %slice3A_130 = vector.extract_strided_slice %select_n3A_129 {offsets = [0, 1], sizes = [16, 10239], strides = [1, 1]} : vector<16x10240xi32> to vector<16x10239xi32>
    %broadcast_in_dim3A_131 = arith.constant 0 : i32
    %broadcast_in_dim3A_132 = vector.broadcast %broadcast_in_dim3A_131 : i32 to vector<16x1xi32>
    %concatenate3A_133 = tpu.concatenate %slice3A_130, %broadcast_in_dim3A_132 in 1 : vector<16x10239xi32>, vector<16x1xi32> -> vector<16x10240xi32>
    %jit3A_134 = arith.constant 0 : i32
    %broadcast_in_dim3A_135 = vector.broadcast %jit3A_134 : i32 to vector<16x10240xi32>
    %select_n3A_136 = arith.select %and3A_126, %broadcast_in_dim3A_135, %select_n3A_116 : vector<16x10240xi1>, vector<16x10240xi32>
    %add3A_137 = arith.addi %select_n3A_136, %concatenate3A_133 : vector<16x10240xi32>
    %gt3A_138 = arith.constant 0 : i32
    %gt3A_139 = vector.broadcast %gt3A_138 : i32 to vector<16x10240xi32>
    %gt3A_140 = arith.cmpi sgt, %add3A_137, %gt3A_139 : vector<16x10240xi32>
    %shift_right_arithmetic3A_141 = arith.constant 16 : i32
    %shift_right_arithmetic3A_142 = vector.broadcast %shift_right_arithmetic3A_141 : i32 to vector<16x10240xi32>
    %shift_right_arithmetic3A_143 = arith.shrsi %add3A_137, %shift_right_arithmetic3A_142 : vector<16x10240xi32>
    %sub3A_144 = arith.subi %iota3A, %shift_right_arithmetic3A_143 : vector<16x10240xi32>
    %and3A_145 = arith.constant 2 : i32
    %and3A_146 = vector.broadcast %and3A_145 : i32 to vector<16x10240xi32>
    %and3A_147 = arith.andi %sub3A_144, %and3A_146 : vector<16x10240xi32>
    %ne3A_148 = arith.constant 0 : i32
    %ne3A_149 = vector.broadcast %ne3A_148 : i32 to vector<16x10240xi32>
    %ne3A_150 = arith.cmpi ne, %and3A_147, %ne3A_149 : vector<16x10240xi32>
    %and3A_151 = arith.andi %gt3A_140, %ne3A_150 : vector<16x10240xi1>
    %jit3A_152 = arith.constant 0 : i32
    %broadcast_in_dim3A_153 = vector.broadcast %jit3A_152 : i32 to vector<16x10240xi32>
    %select_n3A_154 = arith.select %and3A_151, %add3A_137, %broadcast_in_dim3A_153 : vector<16x10240xi1>, vector<16x10240xi32>
    %slice3A_155 = vector.extract_strided_slice %select_n3A_154 {offsets = [0, 2], sizes = [16, 10238], strides = [1, 1]} : vector<16x10240xi32> to vector<16x10238xi32>
    %broadcast_in_dim3A_156 = arith.constant 0 : i32
    %broadcast_in_dim3A_157 = vector.broadcast %broadcast_in_dim3A_156 : i32 to vector<16x2xi32>
    %concatenate3A_158 = tpu.concatenate %slice3A_155, %broadcast_in_dim3A_157 in 1 : vector<16x10238xi32>, vector<16x2xi32> -> vector<16x10240xi32>
    %jit3A_159 = arith.constant 0 : i32
    %broadcast_in_dim3A_160 = vector.broadcast %jit3A_159 : i32 to vector<16x10240xi32>
    %select_n3A_161 = arith.select %and3A_151, %broadcast_in_dim3A_160, %add3A_137 : vector<16x10240xi1>, vector<16x10240xi32>
    %add3A_162 = arith.addi %select_n3A_161, %concatenate3A_158 : vector<16x10240xi32>
    %gt3A_163 = arith.constant 0 : i32
    %gt3A_164 = vector.broadcast %gt3A_163 : i32 to vector<16x10240xi32>
    %gt3A_165 = arith.cmpi sgt, %add3A_162, %gt3A_164 : vector<16x10240xi32>
    %shift_right_arithmetic3A_166 = arith.constant 16 : i32
    %shift_right_arithmetic3A_167 = vector.broadcast %shift_right_arithmetic3A_166 : i32 to vector<16x10240xi32>
    %shift_right_arithmetic3A_168 = arith.shrsi %add3A_162, %shift_right_arithmetic3A_167 : vector<16x10240xi32>
    %sub3A_169 = arith.subi %iota3A, %shift_right_arithmetic3A_168 : vector<16x10240xi32>
    %and3A_170 = arith.constant 4 : i32
    %and3A_171 = vector.broadcast %and3A_170 : i32 to vector<16x10240xi32>
    %and3A_172 = arith.andi %sub3A_169, %and3A_171 : vector<16x10240xi32>
    %ne3A_173 = arith.constant 0 : i32
    %ne3A_174 = vector.broadcast %ne3A_173 : i32 to vector<16x10240xi32>
    %ne3A_175 = arith.cmpi ne, %and3A_172, %ne3A_174 : vector<16x10240xi32>
    %and3A_176 = arith.andi %gt3A_165, %ne3A_175 : vector<16x10240xi1>
    %jit3A_177 = arith.constant 0 : i32
    %broadcast_in_dim3A_178 = vector.broadcast %jit3A_177 : i32 to vector<16x10240xi32>
    %select_n3A_179 = arith.select %and3A_176, %add3A_162, %broadcast_in_dim3A_178 : vector<16x10240xi1>, vector<16x10240xi32>
    %slice3A_180 = vector.extract_strided_slice %select_n3A_179 {offsets = [0, 4], sizes = [16, 10236], strides = [1, 1]} : vector<16x10240xi32> to vector<16x10236xi32>
    %broadcast_in_dim3A_181 = arith.constant 0 : i32
    %broadcast_in_dim3A_182 = vector.broadcast %broadcast_in_dim3A_181 : i32 to vector<16x4xi32>
    %concatenate3A_183 = tpu.concatenate %slice3A_180, %broadcast_in_dim3A_182 in 1 : vector<16x10236xi32>, vector<16x4xi32> -> vector<16x10240xi32>
    %jit3A_184 = arith.constant 0 : i32
    %broadcast_in_dim3A_185 = vector.broadcast %jit3A_184 : i32 to vector<16x10240xi32>
    %select_n3A_186 = arith.select %and3A_176, %broadcast_in_dim3A_185, %add3A_162 : vector<16x10240xi1>, vector<16x10240xi32>
    %add3A_187 = arith.addi %select_n3A_186, %concatenate3A_183 : vector<16x10240xi32>
    %gt3A_188 = arith.constant 0 : i32
    %gt3A_189 = vector.broadcast %gt3A_188 : i32 to vector<16x10240xi32>
    %gt3A_190 = arith.cmpi sgt, %add3A_187, %gt3A_189 : vector<16x10240xi32>
    %shift_right_arithmetic3A_191 = arith.constant 16 : i32
    %shift_right_arithmetic3A_192 = vector.broadcast %shift_right_arithmetic3A_191 : i32 to vector<16x10240xi32>
    %shift_right_arithmetic3A_193 = arith.shrsi %add3A_187, %shift_right_arithmetic3A_192 : vector<16x10240xi32>
    %sub3A_194 = arith.subi %iota3A, %shift_right_arithmetic3A_193 : vector<16x10240xi32>
    %and3A_195 = arith.constant 8 : i32
    %and3A_196 = vector.broadcast %and3A_195 : i32 to vector<16x10240xi32>
    %and3A_197 = arith.andi %sub3A_194, %and3A_196 : vector<16x10240xi32>
    %ne3A_198 = arith.constant 0 : i32
    %ne3A_199 = vector.broadcast %ne3A_198 : i32 to vector<16x10240xi32>
    %ne3A_200 = arith.cmpi ne, %and3A_197, %ne3A_199 : vector<16x10240xi32>
    %and3A_201 = arith.andi %gt3A_190, %ne3A_200 : vector<16x10240xi1>
    %jit3A_202 = arith.constant 0 : i32
    %broadcast_in_dim3A_203 = vector.broadcast %jit3A_202 : i32 to vector<16x10240xi32>
    %select_n3A_204 = arith.select %and3A_201, %add3A_187, %broadcast_in_dim3A_203 : vector<16x10240xi1>, vector<16x10240xi32>
    %slice3A_205 = vector.extract_strided_slice %select_n3A_204 {offsets = [0, 8], sizes = [16, 10232], strides = [1, 1]} : vector<16x10240xi32> to vector<16x10232xi32>
    %broadcast_in_dim3A_206 = arith.constant 0 : i32
    %broadcast_in_dim3A_207 = vector.broadcast %broadcast_in_dim3A_206 : i32 to vector<16x8xi32>
    %concatenate3A_208 = tpu.concatenate %slice3A_205, %broadcast_in_dim3A_207 in 1 : vector<16x10232xi32>, vector<16x8xi32> -> vector<16x10240xi32>
    %jit3A_209 = arith.constant 0 : i32
    %broadcast_in_dim3A_210 = vector.broadcast %jit3A_209 : i32 to vector<16x10240xi32>
    %select_n3A_211 = arith.select %and3A_201, %broadcast_in_dim3A_210, %add3A_187 : vector<16x10240xi1>, vector<16x10240xi32>
    %add3A_212 = arith.addi %select_n3A_211, %concatenate3A_208 : vector<16x10240xi32>
    %gt3A_213 = arith.constant 0 : i32
    %gt3A_214 = vector.broadcast %gt3A_213 : i32 to vector<16x10240xi32>
    %gt3A_215 = arith.cmpi sgt, %add3A_212, %gt3A_214 : vector<16x10240xi32>
    %shift_right_arithmetic3A_216 = arith.constant 16 : i32
    %shift_right_arithmetic3A_217 = vector.broadcast %shift_right_arithmetic3A_216 : i32 to vector<16x10240xi32>
    %shift_right_arithmetic3A_218 = arith.shrsi %add3A_212, %shift_right_arithmetic3A_217 : vector<16x10240xi32>
    %sub3A_219 = arith.subi %iota3A, %shift_right_arithmetic3A_218 : vector<16x10240xi32>
    %and3A_220 = arith.constant 16 : i32
    %and3A_221 = vector.broadcast %and3A_220 : i32 to vector<16x10240xi32>
    %and3A_222 = arith.andi %sub3A_219, %and3A_221 : vector<16x10240xi32>
    %ne3A_223 = arith.constant 0 : i32
    %ne3A_224 = vector.broadcast %ne3A_223 : i32 to vector<16x10240xi32>
    %ne3A_225 = arith.cmpi ne, %and3A_222, %ne3A_224 : vector<16x10240xi32>
    %and3A_226 = arith.andi %gt3A_215, %ne3A_225 : vector<16x10240xi1>
    %jit3A_227 = arith.constant 0 : i32
    %broadcast_in_dim3A_228 = vector.broadcast %jit3A_227 : i32 to vector<16x10240xi32>
    %select_n3A_229 = arith.select %and3A_226, %add3A_212, %broadcast_in_dim3A_228 : vector<16x10240xi1>, vector<16x10240xi32>
    %slice3A_230 = vector.extract_strided_slice %select_n3A_229 {offsets = [0, 16], sizes = [16, 10224], strides = [1, 1]} : vector<16x10240xi32> to vector<16x10224xi32>
    %broadcast_in_dim3A_231 = arith.constant 0 : i32
    %broadcast_in_dim3A_232 = vector.broadcast %broadcast_in_dim3A_231 : i32 to vector<16x16xi32>
    %concatenate3A_233 = tpu.concatenate %slice3A_230, %broadcast_in_dim3A_232 in 1 : vector<16x10224xi32>, vector<16x16xi32> -> vector<16x10240xi32>
    %jit3A_234 = arith.constant 0 : i32
    %broadcast_in_dim3A_235 = vector.broadcast %jit3A_234 : i32 to vector<16x10240xi32>
    %select_n3A_236 = arith.select %and3A_226, %broadcast_in_dim3A_235, %add3A_212 : vector<16x10240xi1>, vector<16x10240xi32>
    %add3A_237 = arith.addi %select_n3A_236, %concatenate3A_233 : vector<16x10240xi32>
    %gt3A_238 = arith.constant 0 : i32
    %gt3A_239 = vector.broadcast %gt3A_238 : i32 to vector<16x10240xi32>
    %gt3A_240 = arith.cmpi sgt, %add3A_237, %gt3A_239 : vector<16x10240xi32>
    %shift_right_arithmetic3A_241 = arith.constant 16 : i32
    %shift_right_arithmetic3A_242 = vector.broadcast %shift_right_arithmetic3A_241 : i32 to vector<16x10240xi32>
    %shift_right_arithmetic3A_243 = arith.shrsi %add3A_237, %shift_right_arithmetic3A_242 : vector<16x10240xi32>
    %sub3A_244 = arith.subi %iota3A, %shift_right_arithmetic3A_243 : vector<16x10240xi32>
    %and3A_245 = arith.constant 32 : i32
    %and3A_246 = vector.broadcast %and3A_245 : i32 to vector<16x10240xi32>
    %and3A_247 = arith.andi %sub3A_244, %and3A_246 : vector<16x10240xi32>
    %ne3A_248 = arith.constant 0 : i32
    %ne3A_249 = vector.broadcast %ne3A_248 : i32 to vector<16x10240xi32>
    %ne3A_250 = arith.cmpi ne, %and3A_247, %ne3A_249 : vector<16x10240xi32>
    %and3A_251 = arith.andi %gt3A_240, %ne3A_250 : vector<16x10240xi1>
    %jit3A_252 = arith.constant 0 : i32
    %broadcast_in_dim3A_253 = vector.broadcast %jit3A_252 : i32 to vector<16x10240xi32>
    %select_n3A_254 = arith.select %and3A_251, %add3A_237, %broadcast_in_dim3A_253 : vector<16x10240xi1>, vector<16x10240xi32>
    %slice3A_255 = vector.extract_strided_slice %select_n3A_254 {offsets = [0, 32], sizes = [16, 10208], strides = [1, 1]} : vector<16x10240xi32> to vector<16x10208xi32>
    %broadcast_in_dim3A_256 = arith.constant 0 : i32
    %broadcast_in_dim3A_257 = vector.broadcast %broadcast_in_dim3A_256 : i32 to vector<16x32xi32>
    %concatenate3A_258 = tpu.concatenate %slice3A_255, %broadcast_in_dim3A_257 in 1 : vector<16x10208xi32>, vector<16x32xi32> -> vector<16x10240xi32>
    %jit3A_259 = arith.constant 0 : i32
    %broadcast_in_dim3A_260 = vector.broadcast %jit3A_259 : i32 to vector<16x10240xi32>
    %select_n3A_261 = arith.select %and3A_251, %broadcast_in_dim3A_260, %add3A_237 : vector<16x10240xi1>, vector<16x10240xi32>
    %add3A_262 = arith.addi %select_n3A_261, %concatenate3A_258 : vector<16x10240xi32>
    %gt3A_263 = arith.constant 0 : i32
    %gt3A_264 = vector.broadcast %gt3A_263 : i32 to vector<16x10240xi32>
    %gt3A_265 = arith.cmpi sgt, %add3A_262, %gt3A_264 : vector<16x10240xi32>
    %shift_right_arithmetic3A_266 = arith.constant 16 : i32
    %shift_right_arithmetic3A_267 = vector.broadcast %shift_right_arithmetic3A_266 : i32 to vector<16x10240xi32>
    %shift_right_arithmetic3A_268 = arith.shrsi %add3A_262, %shift_right_arithmetic3A_267 : vector<16x10240xi32>
    %sub3A_269 = arith.subi %iota3A, %shift_right_arithmetic3A_268 : vector<16x10240xi32>
    %and3A_270 = arith.constant 64 : i32
    %and3A_271 = vector.broadcast %and3A_270 : i32 to vector<16x10240xi32>
    %and3A_272 = arith.andi %sub3A_269, %and3A_271 : vector<16x10240xi32>
    %ne3A_273 = arith.constant 0 : i32
    %ne3A_274 = vector.broadcast %ne3A_273 : i32 to vector<16x10240xi32>
    %ne3A_275 = arith.cmpi ne, %and3A_272, %ne3A_274 : vector<16x10240xi32>
    %and3A_276 = arith.andi %gt3A_265, %ne3A_275 : vector<16x10240xi1>
    %jit3A_277 = arith.constant 0 : i32
    %broadcast_in_dim3A_278 = vector.broadcast %jit3A_277 : i32 to vector<16x10240xi32>
    %select_n3A_279 = arith.select %and3A_276, %add3A_262, %broadcast_in_dim3A_278 : vector<16x10240xi1>, vector<16x10240xi32>
    %slice3A_280 = vector.extract_strided_slice %select_n3A_279 {offsets = [0, 64], sizes = [16, 10176], strides = [1, 1]} : vector<16x10240xi32> to vector<16x10176xi32>
    %broadcast_in_dim3A_281 = arith.constant 0 : i32
    %broadcast_in_dim3A_282 = vector.broadcast %broadcast_in_dim3A_281 : i32 to vector<16x64xi32>
    %concatenate3A_283 = tpu.concatenate %slice3A_280, %broadcast_in_dim3A_282 in 1 : vector<16x10176xi32>, vector<16x64xi32> -> vector<16x10240xi32>
    %jit3A_284 = arith.constant 0 : i32
    %broadcast_in_dim3A_285 = vector.broadcast %jit3A_284 : i32 to vector<16x10240xi32>
    %select_n3A_286 = arith.select %and3A_276, %broadcast_in_dim3A_285, %add3A_262 : vector<16x10240xi1>, vector<16x10240xi32>
    %add3A_287 = arith.addi %select_n3A_286, %concatenate3A_283 : vector<16x10240xi32>
    %gt3A_288 = arith.constant 0 : i32
    %gt3A_289 = vector.broadcast %gt3A_288 : i32 to vector<16x10240xi32>
    %gt3A_290 = arith.cmpi sgt, %add3A_287, %gt3A_289 : vector<16x10240xi32>
    %shift_right_arithmetic3A_291 = arith.constant 16 : i32
    %shift_right_arithmetic3A_292 = vector.broadcast %shift_right_arithmetic3A_291 : i32 to vector<16x10240xi32>
    %shift_right_arithmetic3A_293 = arith.shrsi %add3A_287, %shift_right_arithmetic3A_292 : vector<16x10240xi32>
    %sub3A_294 = arith.subi %iota3A, %shift_right_arithmetic3A_293 : vector<16x10240xi32>
    %and3A_295 = arith.constant 128 : i32
    %and3A_296 = vector.broadcast %and3A_295 : i32 to vector<16x10240xi32>
    %and3A_297 = arith.andi %sub3A_294, %and3A_296 : vector<16x10240xi32>
    %ne3A_298 = arith.constant 0 : i32
    %ne3A_299 = vector.broadcast %ne3A_298 : i32 to vector<16x10240xi32>
    %ne3A_300 = arith.cmpi ne, %and3A_297, %ne3A_299 : vector<16x10240xi32>
    %and3A_301 = arith.andi %gt3A_290, %ne3A_300 : vector<16x10240xi1>
    %jit3A_302 = arith.constant 0 : i32
    %broadcast_in_dim3A_303 = vector.broadcast %jit3A_302 : i32 to vector<16x10240xi32>
    %select_n3A_304 = arith.select %and3A_301, %add3A_287, %broadcast_in_dim3A_303 : vector<16x10240xi1>, vector<16x10240xi32>
    %slice3A_305 = vector.extract_strided_slice %select_n3A_304 {offsets = [0, 128], sizes = [16, 10112], strides = [1, 1]} : vector<16x10240xi32> to vector<16x10112xi32>
    %broadcast_in_dim3A_306 = arith.constant 0 : i32
    %broadcast_in_dim3A_307 = vector.broadcast %broadcast_in_dim3A_306 : i32 to vector<16x128xi32>
    %concatenate3A_308 = tpu.concatenate %slice3A_305, %broadcast_in_dim3A_307 in 1 : vector<16x10112xi32>, vector<16x128xi32> -> vector<16x10240xi32>
    %jit3A_309 = arith.constant 0 : i32
    %broadcast_in_dim3A_310 = vector.broadcast %jit3A_309 : i32 to vector<16x10240xi32>
    %select_n3A_311 = arith.select %and3A_301, %broadcast_in_dim3A_310, %add3A_287 : vector<16x10240xi1>, vector<16x10240xi32>
    %add3A_312 = arith.addi %select_n3A_311, %concatenate3A_308 : vector<16x10240xi32>
    %gt3A_313 = arith.constant 0 : i32
    %gt3A_314 = vector.broadcast %gt3A_313 : i32 to vector<16x10240xi32>
    %gt3A_315 = arith.cmpi sgt, %add3A_312, %gt3A_314 : vector<16x10240xi32>
    %shift_right_arithmetic3A_316 = arith.constant 16 : i32
    %shift_right_arithmetic3A_317 = vector.broadcast %shift_right_arithmetic3A_316 : i32 to vector<16x10240xi32>
    %shift_right_arithmetic3A_318 = arith.shrsi %add3A_312, %shift_right_arithmetic3A_317 : vector<16x10240xi32>
    %sub3A_319 = arith.subi %iota3A, %shift_right_arithmetic3A_318 : vector<16x10240xi32>
    %and3A_320 = arith.constant 256 : i32
    %and3A_321 = vector.broadcast %and3A_320 : i32 to vector<16x10240xi32>
    %and3A_322 = arith.andi %sub3A_319, %and3A_321 : vector<16x10240xi32>
    %ne3A_323 = arith.constant 0 : i32
    %ne3A_324 = vector.broadcast %ne3A_323 : i32 to vector<16x10240xi32>
    %ne3A_325 = arith.cmpi ne, %and3A_322, %ne3A_324 : vector<16x10240xi32>
    %and3A_326 = arith.andi %gt3A_315, %ne3A_325 : vector<16x10240xi1>
    %jit3A_327 = arith.constant 0 : i32
    %broadcast_in_dim3A_328 = vector.broadcast %jit3A_327 : i32 to vector<16x10240xi32>
    %select_n3A_329 = arith.select %and3A_326, %add3A_312, %broadcast_in_dim3A_328 : vector<16x10240xi1>, vector<16x10240xi32>
    %slice3A_330 = vector.extract_strided_slice %select_n3A_329 {offsets = [0, 256], sizes = [16, 9984], strides = [1, 1]} : vector<16x10240xi32> to vector<16x9984xi32>
    %broadcast_in_dim3A_331 = arith.constant 0 : i32
    %broadcast_in_dim3A_332 = vector.broadcast %broadcast_in_dim3A_331 : i32 to vector<16x256xi32>
    %concatenate3A_333 = tpu.concatenate %slice3A_330, %broadcast_in_dim3A_332 in 1 : vector<16x9984xi32>, vector<16x256xi32> -> vector<16x10240xi32>
    %jit3A_334 = arith.constant 0 : i32
    %broadcast_in_dim3A_335 = vector.broadcast %jit3A_334 : i32 to vector<16x10240xi32>
    %select_n3A_336 = arith.select %and3A_326, %broadcast_in_dim3A_335, %add3A_312 : vector<16x10240xi1>, vector<16x10240xi32>
    %add3A_337 = arith.addi %select_n3A_336, %concatenate3A_333 : vector<16x10240xi32>
    %gt3A_338 = arith.constant 0 : i32
    %gt3A_339 = vector.broadcast %gt3A_338 : i32 to vector<16x10240xi32>
    %gt3A_340 = arith.cmpi sgt, %add3A_337, %gt3A_339 : vector<16x10240xi32>
    %shift_right_arithmetic3A_341 = arith.constant 16 : i32
    %shift_right_arithmetic3A_342 = vector.broadcast %shift_right_arithmetic3A_341 : i32 to vector<16x10240xi32>
    %shift_right_arithmetic3A_343 = arith.shrsi %add3A_337, %shift_right_arithmetic3A_342 : vector<16x10240xi32>
    %sub3A_344 = arith.subi %iota3A, %shift_right_arithmetic3A_343 : vector<16x10240xi32>
    %and3A_345 = arith.constant 512 : i32
    %and3A_346 = vector.broadcast %and3A_345 : i32 to vector<16x10240xi32>
    %and3A_347 = arith.andi %sub3A_344, %and3A_346 : vector<16x10240xi32>
    %ne3A_348 = arith.constant 0 : i32
    %ne3A_349 = vector.broadcast %ne3A_348 : i32 to vector<16x10240xi32>
    %ne3A_350 = arith.cmpi ne, %and3A_347, %ne3A_349 : vector<16x10240xi32>
    %and3A_351 = arith.andi %gt3A_340, %ne3A_350 : vector<16x10240xi1>
    %jit3A_352 = arith.constant 0 : i32
    %broadcast_in_dim3A_353 = vector.broadcast %jit3A_352 : i32 to vector<16x10240xi32>
    %select_n3A_354 = arith.select %and3A_351, %add3A_337, %broadcast_in_dim3A_353 : vector<16x10240xi1>, vector<16x10240xi32>
    %slice3A_355 = vector.extract_strided_slice %select_n3A_354 {offsets = [0, 512], sizes = [16, 9728], strides = [1, 1]} : vector<16x10240xi32> to vector<16x9728xi32>
    %broadcast_in_dim3A_356 = arith.constant 0 : i32
    %broadcast_in_dim3A_357 = vector.broadcast %broadcast_in_dim3A_356 : i32 to vector<16x512xi32>
    %concatenate3A_358 = tpu.concatenate %slice3A_355, %broadcast_in_dim3A_357 in 1 : vector<16x9728xi32>, vector<16x512xi32> -> vector<16x10240xi32>
    %jit3A_359 = arith.constant 0 : i32
    %broadcast_in_dim3A_360 = vector.broadcast %jit3A_359 : i32 to vector<16x10240xi32>
    %select_n3A_361 = arith.select %and3A_351, %broadcast_in_dim3A_360, %add3A_337 : vector<16x10240xi1>, vector<16x10240xi32>
    %add3A_362 = arith.addi %select_n3A_361, %concatenate3A_358 : vector<16x10240xi32>
    %gt3A_363 = arith.constant 0 : i32
    %gt3A_364 = vector.broadcast %gt3A_363 : i32 to vector<16x10240xi32>
    %gt3A_365 = arith.cmpi sgt, %add3A_362, %gt3A_364 : vector<16x10240xi32>
    %shift_right_arithmetic3A_366 = arith.constant 16 : i32
    %shift_right_arithmetic3A_367 = vector.broadcast %shift_right_arithmetic3A_366 : i32 to vector<16x10240xi32>
    %shift_right_arithmetic3A_368 = arith.shrsi %add3A_362, %shift_right_arithmetic3A_367 : vector<16x10240xi32>
    %sub3A_369 = arith.subi %iota3A, %shift_right_arithmetic3A_368 : vector<16x10240xi32>
    %and3A_370 = arith.constant 1024 : i32
    %and3A_371 = vector.broadcast %and3A_370 : i32 to vector<16x10240xi32>
    %and3A_372 = arith.andi %sub3A_369, %and3A_371 : vector<16x10240xi32>
    %ne3A_373 = arith.constant 0 : i32
    %ne3A_374 = vector.broadcast %ne3A_373 : i32 to vector<16x10240xi32>
    %ne3A_375 = arith.cmpi ne, %and3A_372, %ne3A_374 : vector<16x10240xi32>
    %and3A_376 = arith.andi %gt3A_365, %ne3A_375 : vector<16x10240xi1>
    %jit3A_377 = arith.constant 0 : i32
    %broadcast_in_dim3A_378 = vector.broadcast %jit3A_377 : i32 to vector<16x10240xi32>
    %select_n3A_379 = arith.select %and3A_376, %add3A_362, %broadcast_in_dim3A_378 : vector<16x10240xi1>, vector<16x10240xi32>
    %slice3A_380 = vector.extract_strided_slice %select_n3A_379 {offsets = [0, 1024], sizes = [16, 9216], strides = [1, 1]} : vector<16x10240xi32> to vector<16x9216xi32>
    %broadcast_in_dim3A_381 = arith.constant 0 : i32
    %broadcast_in_dim3A_382 = vector.broadcast %broadcast_in_dim3A_381 : i32 to vector<16x1024xi32>
    %concatenate3A_383 = tpu.concatenate %slice3A_380, %broadcast_in_dim3A_382 in 1 : vector<16x9216xi32>, vector<16x1024xi32> -> vector<16x10240xi32>
    %jit3A_384 = arith.constant 0 : i32
    %broadcast_in_dim3A_385 = vector.broadcast %jit3A_384 : i32 to vector<16x10240xi32>
    %select_n3A_386 = arith.select %and3A_376, %broadcast_in_dim3A_385, %add3A_362 : vector<16x10240xi1>, vector<16x10240xi32>
    %add3A_387 = arith.addi %select_n3A_386, %concatenate3A_383 : vector<16x10240xi32>
    %gt3A_388 = arith.constant 0 : i32
    %gt3A_389 = vector.broadcast %gt3A_388 : i32 to vector<16x10240xi32>
    %gt3A_390 = arith.cmpi sgt, %add3A_387, %gt3A_389 : vector<16x10240xi32>
    %shift_right_arithmetic3A_391 = arith.constant 16 : i32
    %shift_right_arithmetic3A_392 = vector.broadcast %shift_right_arithmetic3A_391 : i32 to vector<16x10240xi32>
    %shift_right_arithmetic3A_393 = arith.shrsi %add3A_387, %shift_right_arithmetic3A_392 : vector<16x10240xi32>
    %sub3A_394 = arith.subi %iota3A, %shift_right_arithmetic3A_393 : vector<16x10240xi32>
    %and3A_395 = arith.constant 2048 : i32
    %and3A_396 = vector.broadcast %and3A_395 : i32 to vector<16x10240xi32>
    %and3A_397 = arith.andi %sub3A_394, %and3A_396 : vector<16x10240xi32>
    %ne3A_398 = arith.constant 0 : i32
    %ne3A_399 = vector.broadcast %ne3A_398 : i32 to vector<16x10240xi32>
    %ne3A_400 = arith.cmpi ne, %and3A_397, %ne3A_399 : vector<16x10240xi32>
    %and3A_401 = arith.andi %gt3A_390, %ne3A_400 : vector<16x10240xi1>
    %jit3A_402 = arith.constant 0 : i32
    %broadcast_in_dim3A_403 = vector.broadcast %jit3A_402 : i32 to vector<16x10240xi32>
    %select_n3A_404 = arith.select %and3A_401, %add3A_387, %broadcast_in_dim3A_403 : vector<16x10240xi1>, vector<16x10240xi32>
    %slice3A_405 = vector.extract_strided_slice %select_n3A_404 {offsets = [0, 2048], sizes = [16, 8192], strides = [1, 1]} : vector<16x10240xi32> to vector<16x8192xi32>
    %broadcast_in_dim3A_406 = arith.constant 0 : i32
    %broadcast_in_dim3A_407 = vector.broadcast %broadcast_in_dim3A_406 : i32 to vector<16x2048xi32>
    %concatenate3A_408 = tpu.concatenate %slice3A_405, %broadcast_in_dim3A_407 in 1 : vector<16x8192xi32>, vector<16x2048xi32> -> vector<16x10240xi32>
    %jit3A_409 = arith.constant 0 : i32
    %broadcast_in_dim3A_410 = vector.broadcast %jit3A_409 : i32 to vector<16x10240xi32>
    %select_n3A_411 = arith.select %and3A_401, %broadcast_in_dim3A_410, %add3A_387 : vector<16x10240xi1>, vector<16x10240xi32>
    %add3A_412 = arith.addi %select_n3A_411, %concatenate3A_408 : vector<16x10240xi32>
    %gt3A_413 = arith.constant 0 : i32
    %gt3A_414 = vector.broadcast %gt3A_413 : i32 to vector<16x10240xi32>
    %gt3A_415 = arith.cmpi sgt, %add3A_412, %gt3A_414 : vector<16x10240xi32>
    %shift_right_arithmetic3A_416 = arith.constant 16 : i32
    %shift_right_arithmetic3A_417 = vector.broadcast %shift_right_arithmetic3A_416 : i32 to vector<16x10240xi32>
    %shift_right_arithmetic3A_418 = arith.shrsi %add3A_412, %shift_right_arithmetic3A_417 : vector<16x10240xi32>
    %sub3A_419 = arith.subi %iota3A, %shift_right_arithmetic3A_418 : vector<16x10240xi32>
    %and3A_420 = arith.constant 4096 : i32
    %and3A_421 = vector.broadcast %and3A_420 : i32 to vector<16x10240xi32>
    %and3A_422 = arith.andi %sub3A_419, %and3A_421 : vector<16x10240xi32>
    %ne3A_423 = arith.constant 0 : i32
    %ne3A_424 = vector.broadcast %ne3A_423 : i32 to vector<16x10240xi32>
    %ne3A_425 = arith.cmpi ne, %and3A_422, %ne3A_424 : vector<16x10240xi32>
    %and3A_426 = arith.andi %gt3A_415, %ne3A_425 : vector<16x10240xi1>
    %jit3A_427 = arith.constant 0 : i32
    %broadcast_in_dim3A_428 = vector.broadcast %jit3A_427 : i32 to vector<16x10240xi32>
    %select_n3A_429 = arith.select %and3A_426, %add3A_412, %broadcast_in_dim3A_428 : vector<16x10240xi1>, vector<16x10240xi32>
    %slice3A_430 = vector.extract_strided_slice %select_n3A_429 {offsets = [0, 4096], sizes = [16, 6144], strides = [1, 1]} : vector<16x10240xi32> to vector<16x6144xi32>
    %broadcast_in_dim3A_431 = arith.constant 0 : i32
    %broadcast_in_dim3A_432 = vector.broadcast %broadcast_in_dim3A_431 : i32 to vector<16x4096xi32>
    %concatenate3A_433 = tpu.concatenate %slice3A_430, %broadcast_in_dim3A_432 in 1 : vector<16x6144xi32>, vector<16x4096xi32> -> vector<16x10240xi32>
    %jit3A_434 = arith.constant 0 : i32
    %broadcast_in_dim3A_435 = vector.broadcast %jit3A_434 : i32 to vector<16x10240xi32>
    %select_n3A_436 = arith.select %and3A_426, %broadcast_in_dim3A_435, %add3A_412 : vector<16x10240xi1>, vector<16x10240xi32>
    %add3A_437 = arith.addi %select_n3A_436, %concatenate3A_433 : vector<16x10240xi32>
    %gt3A_438 = arith.constant 0 : i32
    %gt3A_439 = vector.broadcast %gt3A_438 : i32 to vector<16x10240xi32>
    %gt3A_440 = arith.cmpi sgt, %add3A_437, %gt3A_439 : vector<16x10240xi32>
    %shift_right_arithmetic3A_441 = arith.constant 16 : i32
    %shift_right_arithmetic3A_442 = vector.broadcast %shift_right_arithmetic3A_441 : i32 to vector<16x10240xi32>
    %shift_right_arithmetic3A_443 = arith.shrsi %add3A_437, %shift_right_arithmetic3A_442 : vector<16x10240xi32>
    %sub3A_444 = arith.subi %iota3A, %shift_right_arithmetic3A_443 : vector<16x10240xi32>
    %and3A_445 = arith.constant 8192 : i32
    %and3A_446 = vector.broadcast %and3A_445 : i32 to vector<16x10240xi32>
    %and3A_447 = arith.andi %sub3A_444, %and3A_446 : vector<16x10240xi32>
    %ne3A_448 = arith.constant 0 : i32
    %ne3A_449 = vector.broadcast %ne3A_448 : i32 to vector<16x10240xi32>
    %ne3A_450 = arith.cmpi ne, %and3A_447, %ne3A_449 : vector<16x10240xi32>
    %and3A_451 = arith.andi %gt3A_440, %ne3A_450 : vector<16x10240xi1>
    %jit3A_452 = arith.constant 0 : i32
    %broadcast_in_dim3A_453 = vector.broadcast %jit3A_452 : i32 to vector<16x10240xi32>
    %select_n3A_454 = arith.select %and3A_451, %add3A_437, %broadcast_in_dim3A_453 : vector<16x10240xi1>, vector<16x10240xi32>
    %slice3A_455 = vector.extract_strided_slice %select_n3A_454 {offsets = [0, 8192], sizes = [16, 2048], strides = [1, 1]} : vector<16x10240xi32> to vector<16x2048xi32>
    %broadcast_in_dim3A_456 = arith.constant 0 : i32
    %broadcast_in_dim3A_457 = vector.broadcast %broadcast_in_dim3A_456 : i32 to vector<16x8192xi32>
    %concatenate3A_458 = tpu.concatenate %slice3A_455, %broadcast_in_dim3A_457 in 1 : vector<16x2048xi32>, vector<16x8192xi32> -> vector<16x10240xi32>
    %jit3A_459 = arith.constant 0 : i32
    %broadcast_in_dim3A_460 = vector.broadcast %jit3A_459 : i32 to vector<16x10240xi32>
    %select_n3A_461 = arith.select %and3A_451, %broadcast_in_dim3A_460, %add3A_437 : vector<16x10240xi1>, vector<16x10240xi32>
    %add3A_462 = arith.addi %select_n3A_461, %concatenate3A_458 : vector<16x10240xi32>
    %slice3A_463 = vector.extract_strided_slice %add3A_462 {offsets = [0, 0], sizes = [16, 128], strides = [1, 1]} : vector<16x10240xi32> to vector<16x128xi32>
    %and3A_464 = arith.constant 65535 : i32
    %and3A_465 = vector.broadcast %and3A_464 : i32 to vector<16x128xi32>
    %and3A_466 = arith.andi %slice3A_463, %and3A_465 : vector<16x128xi32>
    %sub3A_467 = arith.constant 1 : i32
    %sub3A_468 = vector.broadcast %sub3A_467 : i32 to vector<16x128xi32>
    %sub3A_469 = arith.subi %and3A_466, %sub3A_468 : vector<16x128xi32>
    %swap3A = arith.constant 0 : index
    %swap3A_470 = arith.constant 0 : index
    %swap3A_471 = vector.load %arg7[%swap3A, %swap3A_470] : memref<16x128xi32, #tpu.memory_space<vmem>>, vector<16x128xi32>
    tpu.vector_store %arg7[%swap3A, %swap3A_470], %sub3A_469 {strides = array<i32>} : memref<16x128xi32, #tpu.memory_space<vmem>>, vector<16x128xi32>,
    %broadcast_in_dim3A_472 = arith.constant 0 : i32
    %broadcast_in_dim3A_473 = vector.broadcast %broadcast_in_dim3A_472 : i32 to vector<16x1xi32>
    %broadcast_in_dim3A_474 = arith.constant 1042536202 : i32
    %broadcast_in_dim3A_475 = vector.broadcast %broadcast_in_dim3A_474 : i32 to vector<16x1xi32>
    %scan3A_476 = arith.constant 128 : i32
    %scan3A_477 = arith.constant 0 : i32
    %scan3A_478 = arith.constant 31 : i32
    %scan3A_479 = arith.addi %scan3A_477, %scan3A_478 : i32
    %scan3A_480 = arith.constant 1 : i32
    %scan3A_481:2 = scf.for %scan3A_926 = %scan3A_477 to %scan3A_479 step %scan3A_480 iter_args(%scan3A_927 = %broadcast_in_dim3A_473, %scan3A_928 = %broadcast_in_dim3A_475) -> (vector<16x1xi32>, vector<16x1xi32>)  : i32 {
      %add3A_929 = arith.addi %scan3A_927, %scan3A_928 : vector<16x1xi32>
      %shift_right_arithmetic3A_930 = arith.constant 1 : i32
      %shift_right_arithmetic3A_931 = vector.broadcast %shift_right_arithmetic3A_930 : i32 to vector<16x1xi32>
      %shift_right_arithmetic3A_932 = arith.shrsi %add3A_929, %shift_right_arithmetic3A_931 : vector<16x1xi32>
      %le3A_933 = vector.broadcast %shift_right_arithmetic3A_932 : vector<16x1xi32> to vector<16x10240xi32>
      %le3A_934 = arith.cmpi sle, %select_n3A, %le3A_933 : vector<16x10240xi32>
      %convert_element_type3A_935 = arith.extui %le3A_934 : vector<16x10240xi1> to vector<16x10240xi32>
      %reduce_sum3A = arith.constant dense<0> : vector<16xi32>
      %reduce_sum3A_936 = vector.multi_reduction <add>, %convert_element_type3A_935, %reduce_sum3A [1] : vector<16x10240xi32> to vector<16xi32>
      %broadcast_in_dim3A_937 = vector.shape_cast %reduce_sum3A_936 : vector<16xi32> to vector<16x1xi32>
      %ge3A = vector.broadcast %scan3A_476 : i32 to vector<16x1xi32>
      %ge3A_938 = arith.cmpi sge, %broadcast_in_dim3A_937, %ge3A : vector<16x1xi32>
      %add3A_939 = arith.constant 1 : i32
      %add3A_940 = vector.broadcast %add3A_939 : i32 to vector<16x1xi32>
      %add3A_941 = arith.addi %shift_right_arithmetic3A_932, %add3A_940 : vector<16x1xi32>
      %select_n3A_942 = arith.select %ge3A_938, %scan3A_927, %add3A_941 : vector<16x1xi1>, vector<16x1xi32>
      %select_n3A_943 = arith.select %ge3A_938, %shift_right_arithmetic3A_932, %scan3A_928 : vector<16x1xi1>, vector<16x1xi32>
      scf.yield %select_n3A_942, %select_n3A_943 : vector<16x1xi32>, vector<16x1xi32>
    }
    %le3A_482 = vector.broadcast %scan3A_481#1 : vector<16x1xi32> to vector<16x10240xi32>
    %le3A_483 = arith.cmpi sle, %select_n3A, %le3A_482 : vector<16x10240xi32>
    %convert_element_type3A_484 = arith.extui %le3A_483 : vector<16x10240xi1> to vector<16x10240xi32>
    %broadcast_in_dim3A_485 = arith.constant 0 : i32
    %broadcast_in_dim3A_486 = vector.broadcast %broadcast_in_dim3A_485 : i32 to vector<16x1xi32>
    %slice3A_487 = vector.extract_strided_slice %convert_element_type3A_484 {offsets = [0, 0], sizes = [16, 10239], strides = [1, 1]} : vector<16x10240xi32> to vector<16x10239xi32>
    %concatenate3A_488 = tpu.concatenate %broadcast_in_dim3A_486, %slice3A_487 in 1 : vector<16x1xi32>, vector<16x10239xi32> -> vector<16x10240xi32>
    %add3A_489 = arith.addi %convert_element_type3A_484, %concatenate3A_488 : vector<16x10240xi32>
    %broadcast_in_dim3A_490 = arith.constant 0 : i32
    %broadcast_in_dim3A_491 = vector.broadcast %broadcast_in_dim3A_490 : i32 to vector<16x2xi32>
    %slice3A_492 = vector.extract_strided_slice %add3A_489 {offsets = [0, 0], sizes = [16, 10238], strides = [1, 1]} : vector<16x10240xi32> to vector<16x10238xi32>
    %concatenate3A_493 = tpu.concatenate %broadcast_in_dim3A_491, %slice3A_492 in 1 : vector<16x2xi32>, vector<16x10238xi32> -> vector<16x10240xi32>
    %add3A_494 = arith.addi %add3A_489, %concatenate3A_493 : vector<16x10240xi32>
    %broadcast_in_dim3A_495 = arith.constant 0 : i32
    %broadcast_in_dim3A_496 = vector.broadcast %broadcast_in_dim3A_495 : i32 to vector<16x4xi32>
    %slice3A_497 = vector.extract_strided_slice %add3A_494 {offsets = [0, 0], sizes = [16, 10236], strides = [1, 1]} : vector<16x10240xi32> to vector<16x10236xi32>
    %concatenate3A_498 = tpu.concatenate %broadcast_in_dim3A_496, %slice3A_497 in 1 : vector<16x4xi32>, vector<16x10236xi32> -> vector<16x10240xi32>
    %add3A_499 = arith.addi %add3A_494, %concatenate3A_498 : vector<16x10240xi32>
    %broadcast_in_dim3A_500 = arith.constant 0 : i32
    %broadcast_in_dim3A_501 = vector.broadcast %broadcast_in_dim3A_500 : i32 to vector<16x8xi32>
    %slice3A_502 = vector.extract_strided_slice %add3A_499 {offsets = [0, 0], sizes = [16, 10232], strides = [1, 1]} : vector<16x10240xi32> to vector<16x10232xi32>
    %concatenate3A_503 = tpu.concatenate %broadcast_in_dim3A_501, %slice3A_502 in 1 : vector<16x8xi32>, vector<16x10232xi32> -> vector<16x10240xi32>
    %add3A_504 = arith.addi %add3A_499, %concatenate3A_503 : vector<16x10240xi32>
    %broadcast_in_dim3A_505 = arith.constant 0 : i32
    %broadcast_in_dim3A_506 = vector.broadcast %broadcast_in_dim3A_505 : i32 to vector<16x16xi32>
    %slice3A_507 = vector.extract_strided_slice %add3A_504 {offsets = [0, 0], sizes = [16, 10224], strides = [1, 1]} : vector<16x10240xi32> to vector<16x10224xi32>
    %concatenate3A_508 = tpu.concatenate %broadcast_in_dim3A_506, %slice3A_507 in 1 : vector<16x16xi32>, vector<16x10224xi32> -> vector<16x10240xi32>
    %add3A_509 = arith.addi %add3A_504, %concatenate3A_508 : vector<16x10240xi32>
    %broadcast_in_dim3A_510 = arith.constant 0 : i32
    %broadcast_in_dim3A_511 = vector.broadcast %broadcast_in_dim3A_510 : i32 to vector<16x32xi32>
    %slice3A_512 = vector.extract_strided_slice %add3A_509 {offsets = [0, 0], sizes = [16, 10208], strides = [1, 1]} : vector<16x10240xi32> to vector<16x10208xi32>
    %concatenate3A_513 = tpu.concatenate %broadcast_in_dim3A_511, %slice3A_512 in 1 : vector<16x32xi32>, vector<16x10208xi32> -> vector<16x10240xi32>
    %add3A_514 = arith.addi %add3A_509, %concatenate3A_513 : vector<16x10240xi32>
    %broadcast_in_dim3A_515 = arith.constant 0 : i32
    %broadcast_in_dim3A_516 = vector.broadcast %broadcast_in_dim3A_515 : i32 to vector<16x64xi32>
    %slice3A_517 = vector.extract_strided_slice %add3A_514 {offsets = [0, 0], sizes = [16, 10176], strides = [1, 1]} : vector<16x10240xi32> to vector<16x10176xi32>
    %concatenate3A_518 = tpu.concatenate %broadcast_in_dim3A_516, %slice3A_517 in 1 : vector<16x64xi32>, vector<16x10176xi32> -> vector<16x10240xi32>
    %add3A_519 = arith.addi %add3A_514, %concatenate3A_518 : vector<16x10240xi32>
    %broadcast_in_dim3A_520 = arith.constant 0 : i32
    %broadcast_in_dim3A_521 = vector.broadcast %broadcast_in_dim3A_520 : i32 to vector<16x128xi32>
    %slice3A_522 = vector.extract_strided_slice %add3A_519 {offsets = [0, 0], sizes = [16, 10112], strides = [1, 1]} : vector<16x10240xi32> to vector<16x10112xi32>
    %concatenate3A_523 = tpu.concatenate %broadcast_in_dim3A_521, %slice3A_522 in 1 : vector<16x128xi32>, vector<16x10112xi32> -> vector<16x10240xi32>
    %add3A_524 = arith.addi %add3A_519, %concatenate3A_523 : vector<16x10240xi32>
    %broadcast_in_dim3A_525 = arith.constant 0 : i32
    %broadcast_in_dim3A_526 = vector.broadcast %broadcast_in_dim3A_525 : i32 to vector<16x256xi32>
    %slice3A_527 = vector.extract_strided_slice %add3A_524 {offsets = [0, 0], sizes = [16, 9984], strides = [1, 1]} : vector<16x10240xi32> to vector<16x9984xi32>
    %concatenate3A_528 = tpu.concatenate %broadcast_in_dim3A_526, %slice3A_527 in 1 : vector<16x256xi32>, vector<16x9984xi32> -> vector<16x10240xi32>
    %add3A_529 = arith.addi %add3A_524, %concatenate3A_528 : vector<16x10240xi32>
    %broadcast_in_dim3A_530 = arith.constant 0 : i32
    %broadcast_in_dim3A_531 = vector.broadcast %broadcast_in_dim3A_530 : i32 to vector<16x512xi32>
    %slice3A_532 = vector.extract_strided_slice %add3A_529 {offsets = [0, 0], sizes = [16, 9728], strides = [1, 1]} : vector<16x10240xi32> to vector<16x9728xi32>
    %concatenate3A_533 = tpu.concatenate %broadcast_in_dim3A_531, %slice3A_532 in 1 : vector<16x512xi32>, vector<16x9728xi32> -> vector<16x10240xi32>
    %add3A_534 = arith.addi %add3A_529, %concatenate3A_533 : vector<16x10240xi32>
    %broadcast_in_dim3A_535 = arith.constant 0 : i32
    %broadcast_in_dim3A_536 = vector.broadcast %broadcast_in_dim3A_535 : i32 to vector<16x1024xi32>
    %slice3A_537 = vector.extract_strided_slice %add3A_534 {offsets = [0, 0], sizes = [16, 9216], strides = [1, 1]} : vector<16x10240xi32> to vector<16x9216xi32>
    %concatenate3A_538 = tpu.concatenate %broadcast_in_dim3A_536, %slice3A_537 in 1 : vector<16x1024xi32>, vector<16x9216xi32> -> vector<16x10240xi32>
    %add3A_539 = arith.addi %add3A_534, %concatenate3A_538 : vector<16x10240xi32>
    %broadcast_in_dim3A_540 = arith.constant 0 : i32
    %broadcast_in_dim3A_541 = vector.broadcast %broadcast_in_dim3A_540 : i32 to vector<16x2048xi32>
    %slice3A_542 = vector.extract_strided_slice %add3A_539 {offsets = [0, 0], sizes = [16, 8192], strides = [1, 1]} : vector<16x10240xi32> to vector<16x8192xi32>
    %concatenate3A_543 = tpu.concatenate %broadcast_in_dim3A_541, %slice3A_542 in 1 : vector<16x2048xi32>, vector<16x8192xi32> -> vector<16x10240xi32>
    %add3A_544 = arith.addi %add3A_539, %concatenate3A_543 : vector<16x10240xi32>
    %broadcast_in_dim3A_545 = arith.constant 0 : i32
    %broadcast_in_dim3A_546 = vector.broadcast %broadcast_in_dim3A_545 : i32 to vector<16x4096xi32>
    %slice3A_547 = vector.extract_strided_slice %add3A_544 {offsets = [0, 0], sizes = [16, 6144], strides = [1, 1]} : vector<16x10240xi32> to vector<16x6144xi32>
    %concatenate3A_548 = tpu.concatenate %broadcast_in_dim3A_546, %slice3A_547 in 1 : vector<16x4096xi32>, vector<16x6144xi32> -> vector<16x10240xi32>
    %add3A_549 = arith.addi %add3A_544, %concatenate3A_548 : vector<16x10240xi32>
    %broadcast_in_dim3A_550 = arith.constant 0 : i32
    %broadcast_in_dim3A_551 = vector.broadcast %broadcast_in_dim3A_550 : i32 to vector<16x8192xi32>
    %slice3A_552 = vector.extract_strided_slice %add3A_549 {offsets = [0, 0], sizes = [16, 2048], strides = [1, 1]} : vector<16x10240xi32> to vector<16x2048xi32>
    %concatenate3A_553 = tpu.concatenate %broadcast_in_dim3A_551, %slice3A_552 in 1 : vector<16x8192xi32>, vector<16x2048xi32> -> vector<16x10240xi32>
    %add3A_554 = arith.addi %add3A_549, %concatenate3A_553 : vector<16x10240xi32>
    %sub3A_555 = arith.subi %add3A_554, %convert_element_type3A_484 : vector<16x10240xi32>
    %shift_left3A_556 = arith.constant 16 : i32
    %shift_left3A_557 = vector.broadcast %shift_left3A_556 : i32 to vector<16x10240xi32>
    %shift_left3A_558 = arith.shli %sub3A_555, %shift_left3A_557 : vector<16x10240xi32>
    %add3A_559 = arith.constant 1 : i32
    %add3A_560 = vector.broadcast %add3A_559 : i32 to vector<16x10240xi32>
    %add3A_561 = arith.addi %iota3A, %add3A_560 : vector<16x10240xi32>
    %or3A_562 = arith.ori %shift_left3A_558, %add3A_561 : vector<16x10240xi32>
    %jit3A_563 = arith.constant 0 : i32
    %broadcast_in_dim3A_564 = vector.broadcast %jit3A_563 : i32 to vector<16x10240xi32>
    %select_n3A_565 = arith.select %le3A_483, %or3A_562, %broadcast_in_dim3A_564 : vector<16x10240xi1>, vector<16x10240xi32>
    %gt3A_566 = arith.constant 0 : i32
    %gt3A_567 = vector.broadcast %gt3A_566 : i32 to vector<16x10240xi32>
    %gt3A_568 = arith.cmpi sgt, %select_n3A_565, %gt3A_567 : vector<16x10240xi32>
    %shift_right_arithmetic3A_569 = arith.constant 16 : i32
    %shift_right_arithmetic3A_570 = vector.broadcast %shift_right_arithmetic3A_569 : i32 to vector<16x10240xi32>
    %shift_right_arithmetic3A_571 = arith.shrsi %select_n3A_565, %shift_right_arithmetic3A_570 : vector<16x10240xi32>
    %sub3A_572 = arith.subi %iota3A, %shift_right_arithmetic3A_571 : vector<16x10240xi32>
    %and3A_573 = arith.constant 1 : i32
    %and3A_574 = vector.broadcast %and3A_573 : i32 to vector<16x10240xi32>
    %and3A_575 = arith.andi %sub3A_572, %and3A_574 : vector<16x10240xi32>
    %ne3A_576 = arith.constant 0 : i32
    %ne3A_577 = vector.broadcast %ne3A_576 : i32 to vector<16x10240xi32>
    %ne3A_578 = arith.cmpi ne, %and3A_575, %ne3A_577 : vector<16x10240xi32>
    %and3A_579 = arith.andi %gt3A_568, %ne3A_578 : vector<16x10240xi1>
    %jit3A_580 = arith.constant 0 : i32
    %broadcast_in_dim3A_581 = vector.broadcast %jit3A_580 : i32 to vector<16x10240xi32>
    %select_n3A_582 = arith.select %and3A_579, %select_n3A_565, %broadcast_in_dim3A_581 : vector<16x10240xi1>, vector<16x10240xi32>
    %slice3A_583 = vector.extract_strided_slice %select_n3A_582 {offsets = [0, 1], sizes = [16, 10239], strides = [1, 1]} : vector<16x10240xi32> to vector<16x10239xi32>
    %broadcast_in_dim3A_584 = arith.constant 0 : i32
    %broadcast_in_dim3A_585 = vector.broadcast %broadcast_in_dim3A_584 : i32 to vector<16x1xi32>
    %concatenate3A_586 = tpu.concatenate %slice3A_583, %broadcast_in_dim3A_585 in 1 : vector<16x10239xi32>, vector<16x1xi32> -> vector<16x10240xi32>
    %jit3A_587 = arith.constant 0 : i32
    %broadcast_in_dim3A_588 = vector.broadcast %jit3A_587 : i32 to vector<16x10240xi32>
    %select_n3A_589 = arith.select %and3A_579, %broadcast_in_dim3A_588, %select_n3A_565 : vector<16x10240xi1>, vector<16x10240xi32>
    %add3A_590 = arith.addi %select_n3A_589, %concatenate3A_586 : vector<16x10240xi32>
    %gt3A_591 = arith.constant 0 : i32
    %gt3A_592 = vector.broadcast %gt3A_591 : i32 to vector<16x10240xi32>
    %gt3A_593 = arith.cmpi sgt, %add3A_590, %gt3A_592 : vector<16x10240xi32>
    %shift_right_arithmetic3A_594 = arith.constant 16 : i32
    %shift_right_arithmetic3A_595 = vector.broadcast %shift_right_arithmetic3A_594 : i32 to vector<16x10240xi32>
    %shift_right_arithmetic3A_596 = arith.shrsi %add3A_590, %shift_right_arithmetic3A_595 : vector<16x10240xi32>
    %sub3A_597 = arith.subi %iota3A, %shift_right_arithmetic3A_596 : vector<16x10240xi32>
    %and3A_598 = arith.constant 2 : i32
    %and3A_599 = vector.broadcast %and3A_598 : i32 to vector<16x10240xi32>
    %and3A_600 = arith.andi %sub3A_597, %and3A_599 : vector<16x10240xi32>
    %ne3A_601 = arith.constant 0 : i32
    %ne3A_602 = vector.broadcast %ne3A_601 : i32 to vector<16x10240xi32>
    %ne3A_603 = arith.cmpi ne, %and3A_600, %ne3A_602 : vector<16x10240xi32>
    %and3A_604 = arith.andi %gt3A_593, %ne3A_603 : vector<16x10240xi1>
    %jit3A_605 = arith.constant 0 : i32
    %broadcast_in_dim3A_606 = vector.broadcast %jit3A_605 : i32 to vector<16x10240xi32>
    %select_n3A_607 = arith.select %and3A_604, %add3A_590, %broadcast_in_dim3A_606 : vector<16x10240xi1>, vector<16x10240xi32>
    %slice3A_608 = vector.extract_strided_slice %select_n3A_607 {offsets = [0, 2], sizes = [16, 10238], strides = [1, 1]} : vector<16x10240xi32> to vector<16x10238xi32>
    %broadcast_in_dim3A_609 = arith.constant 0 : i32
    %broadcast_in_dim3A_610 = vector.broadcast %broadcast_in_dim3A_609 : i32 to vector<16x2xi32>
    %concatenate3A_611 = tpu.concatenate %slice3A_608, %broadcast_in_dim3A_610 in 1 : vector<16x10238xi32>, vector<16x2xi32> -> vector<16x10240xi32>
    %jit3A_612 = arith.constant 0 : i32
    %broadcast_in_dim3A_613 = vector.broadcast %jit3A_612 : i32 to vector<16x10240xi32>
    %select_n3A_614 = arith.select %and3A_604, %broadcast_in_dim3A_613, %add3A_590 : vector<16x10240xi1>, vector<16x10240xi32>
    %add3A_615 = arith.addi %select_n3A_614, %concatenate3A_611 : vector<16x10240xi32>
    %gt3A_616 = arith.constant 0 : i32
    %gt3A_617 = vector.broadcast %gt3A_616 : i32 to vector<16x10240xi32>
    %gt3A_618 = arith.cmpi sgt, %add3A_615, %gt3A_617 : vector<16x10240xi32>
    %shift_right_arithmetic3A_619 = arith.constant 16 : i32
    %shift_right_arithmetic3A_620 = vector.broadcast %shift_right_arithmetic3A_619 : i32 to vector<16x10240xi32>
    %shift_right_arithmetic3A_621 = arith.shrsi %add3A_615, %shift_right_arithmetic3A_620 : vector<16x10240xi32>
    %sub3A_622 = arith.subi %iota3A, %shift_right_arithmetic3A_621 : vector<16x10240xi32>
    %and3A_623 = arith.constant 4 : i32
    %and3A_624 = vector.broadcast %and3A_623 : i32 to vector<16x10240xi32>
    %and3A_625 = arith.andi %sub3A_622, %and3A_624 : vector<16x10240xi32>
    %ne3A_626 = arith.constant 0 : i32
    %ne3A_627 = vector.broadcast %ne3A_626 : i32 to vector<16x10240xi32>
    %ne3A_628 = arith.cmpi ne, %and3A_625, %ne3A_627 : vector<16x10240xi32>
    %and3A_629 = arith.andi %gt3A_618, %ne3A_628 : vector<16x10240xi1>
    %jit3A_630 = arith.constant 0 : i32
    %broadcast_in_dim3A_631 = vector.broadcast %jit3A_630 : i32 to vector<16x10240xi32>
    %select_n3A_632 = arith.select %and3A_629, %add3A_615, %broadcast_in_dim3A_631 : vector<16x10240xi1>, vector<16x10240xi32>
    %slice3A_633 = vector.extract_strided_slice %select_n3A_632 {offsets = [0, 4], sizes = [16, 10236], strides = [1, 1]} : vector<16x10240xi32> to vector<16x10236xi32>
    %broadcast_in_dim3A_634 = arith.constant 0 : i32
    %broadcast_in_dim3A_635 = vector.broadcast %broadcast_in_dim3A_634 : i32 to vector<16x4xi32>
    %concatenate3A_636 = tpu.concatenate %slice3A_633, %broadcast_in_dim3A_635 in 1 : vector<16x10236xi32>, vector<16x4xi32> -> vector<16x10240xi32>
    %jit3A_637 = arith.constant 0 : i32
    %broadcast_in_dim3A_638 = vector.broadcast %jit3A_637 : i32 to vector<16x10240xi32>
    %select_n3A_639 = arith.select %and3A_629, %broadcast_in_dim3A_638, %add3A_615 : vector<16x10240xi1>, vector<16x10240xi32>
    %add3A_640 = arith.addi %select_n3A_639, %concatenate3A_636 : vector<16x10240xi32>
    %gt3A_641 = arith.constant 0 : i32
    %gt3A_642 = vector.broadcast %gt3A_641 : i32 to vector<16x10240xi32>
    %gt3A_643 = arith.cmpi sgt, %add3A_640, %gt3A_642 : vector<16x10240xi32>
    %shift_right_arithmetic3A_644 = arith.constant 16 : i32
    %shift_right_arithmetic3A_645 = vector.broadcast %shift_right_arithmetic3A_644 : i32 to vector<16x10240xi32>
    %shift_right_arithmetic3A_646 = arith.shrsi %add3A_640, %shift_right_arithmetic3A_645 : vector<16x10240xi32>
    %sub3A_647 = arith.subi %iota3A, %shift_right_arithmetic3A_646 : vector<16x10240xi32>
    %and3A_648 = arith.constant 8 : i32
    %and3A_649 = vector.broadcast %and3A_648 : i32 to vector<16x10240xi32>
    %and3A_650 = arith.andi %sub3A_647, %and3A_649 : vector<16x10240xi32>
    %ne3A_651 = arith.constant 0 : i32
    %ne3A_652 = vector.broadcast %ne3A_651 : i32 to vector<16x10240xi32>
    %ne3A_653 = arith.cmpi ne, %and3A_650, %ne3A_652 : vector<16x10240xi32>
    %and3A_654 = arith.andi %gt3A_643, %ne3A_653 : vector<16x10240xi1>
    %jit3A_655 = arith.constant 0 : i32
    %broadcast_in_dim3A_656 = vector.broadcast %jit3A_655 : i32 to vector<16x10240xi32>
    %select_n3A_657 = arith.select %and3A_654, %add3A_640, %broadcast_in_dim3A_656 : vector<16x10240xi1>, vector<16x10240xi32>
    %slice3A_658 = vector.extract_strided_slice %select_n3A_657 {offsets = [0, 8], sizes = [16, 10232], strides = [1, 1]} : vector<16x10240xi32> to vector<16x10232xi32>
    %broadcast_in_dim3A_659 = arith.constant 0 : i32
    %broadcast_in_dim3A_660 = vector.broadcast %broadcast_in_dim3A_659 : i32 to vector<16x8xi32>
    %concatenate3A_661 = tpu.concatenate %slice3A_658, %broadcast_in_dim3A_660 in 1 : vector<16x10232xi32>, vector<16x8xi32> -> vector<16x10240xi32>
    %jit3A_662 = arith.constant 0 : i32
    %broadcast_in_dim3A_663 = vector.broadcast %jit3A_662 : i32 to vector<16x10240xi32>
    %select_n3A_664 = arith.select %and3A_654, %broadcast_in_dim3A_663, %add3A_640 : vector<16x10240xi1>, vector<16x10240xi32>
    %add3A_665 = arith.addi %select_n3A_664, %concatenate3A_661 : vector<16x10240xi32>
    %gt3A_666 = arith.constant 0 : i32
    %gt3A_667 = vector.broadcast %gt3A_666 : i32 to vector<16x10240xi32>
    %gt3A_668 = arith.cmpi sgt, %add3A_665, %gt3A_667 : vector<16x10240xi32>
    %shift_right_arithmetic3A_669 = arith.constant 16 : i32
    %shift_right_arithmetic3A_670 = vector.broadcast %shift_right_arithmetic3A_669 : i32 to vector<16x10240xi32>
    %shift_right_arithmetic3A_671 = arith.shrsi %add3A_665, %shift_right_arithmetic3A_670 : vector<16x10240xi32>
    %sub3A_672 = arith.subi %iota3A, %shift_right_arithmetic3A_671 : vector<16x10240xi32>
    %and3A_673 = arith.constant 16 : i32
    %and3A_674 = vector.broadcast %and3A_673 : i32 to vector<16x10240xi32>
    %and3A_675 = arith.andi %sub3A_672, %and3A_674 : vector<16x10240xi32>
    %ne3A_676 = arith.constant 0 : i32
    %ne3A_677 = vector.broadcast %ne3A_676 : i32 to vector<16x10240xi32>
    %ne3A_678 = arith.cmpi ne, %and3A_675, %ne3A_677 : vector<16x10240xi32>
    %and3A_679 = arith.andi %gt3A_668, %ne3A_678 : vector<16x10240xi1>
    %jit3A_680 = arith.constant 0 : i32
    %broadcast_in_dim3A_681 = vector.broadcast %jit3A_680 : i32 to vector<16x10240xi32>
    %select_n3A_682 = arith.select %and3A_679, %add3A_665, %broadcast_in_dim3A_681 : vector<16x10240xi1>, vector<16x10240xi32>
    %slice3A_683 = vector.extract_strided_slice %select_n3A_682 {offsets = [0, 16], sizes = [16, 10224], strides = [1, 1]} : vector<16x10240xi32> to vector<16x10224xi32>
    %broadcast_in_dim3A_684 = arith.constant 0 : i32
    %broadcast_in_dim3A_685 = vector.broadcast %broadcast_in_dim3A_684 : i32 to vector<16x16xi32>
    %concatenate3A_686 = tpu.concatenate %slice3A_683, %broadcast_in_dim3A_685 in 1 : vector<16x10224xi32>, vector<16x16xi32> -> vector<16x10240xi32>
    %jit3A_687 = arith.constant 0 : i32
    %broadcast_in_dim3A_688 = vector.broadcast %jit3A_687 : i32 to vector<16x10240xi32>
    %select_n3A_689 = arith.select %and3A_679, %broadcast_in_dim3A_688, %add3A_665 : vector<16x10240xi1>, vector<16x10240xi32>
    %add3A_690 = arith.addi %select_n3A_689, %concatenate3A_686 : vector<16x10240xi32>
    %gt3A_691 = arith.constant 0 : i32
    %gt3A_692 = vector.broadcast %gt3A_691 : i32 to vector<16x10240xi32>
    %gt3A_693 = arith.cmpi sgt, %add3A_690, %gt3A_692 : vector<16x10240xi32>
    %shift_right_arithmetic3A_694 = arith.constant 16 : i32
    %shift_right_arithmetic3A_695 = vector.broadcast %shift_right_arithmetic3A_694 : i32 to vector<16x10240xi32>
    %shift_right_arithmetic3A_696 = arith.shrsi %add3A_690, %shift_right_arithmetic3A_695 : vector<16x10240xi32>
    %sub3A_697 = arith.subi %iota3A, %shift_right_arithmetic3A_696 : vector<16x10240xi32>
    %and3A_698 = arith.constant 32 : i32
    %and3A_699 = vector.broadcast %and3A_698 : i32 to vector<16x10240xi32>
    %and3A_700 = arith.andi %sub3A_697, %and3A_699 : vector<16x10240xi32>
    %ne3A_701 = arith.constant 0 : i32
    %ne3A_702 = vector.broadcast %ne3A_701 : i32 to vector<16x10240xi32>
    %ne3A_703 = arith.cmpi ne, %and3A_700, %ne3A_702 : vector<16x10240xi32>
    %and3A_704 = arith.andi %gt3A_693, %ne3A_703 : vector<16x10240xi1>
    %jit3A_705 = arith.constant 0 : i32
    %broadcast_in_dim3A_706 = vector.broadcast %jit3A_705 : i32 to vector<16x10240xi32>
    %select_n3A_707 = arith.select %and3A_704, %add3A_690, %broadcast_in_dim3A_706 : vector<16x10240xi1>, vector<16x10240xi32>
    %slice3A_708 = vector.extract_strided_slice %select_n3A_707 {offsets = [0, 32], sizes = [16, 10208], strides = [1, 1]} : vector<16x10240xi32> to vector<16x10208xi32>
    %broadcast_in_dim3A_709 = arith.constant 0 : i32
    %broadcast_in_dim3A_710 = vector.broadcast %broadcast_in_dim3A_709 : i32 to vector<16x32xi32>
    %concatenate3A_711 = tpu.concatenate %slice3A_708, %broadcast_in_dim3A_710 in 1 : vector<16x10208xi32>, vector<16x32xi32> -> vector<16x10240xi32>
    %jit3A_712 = arith.constant 0 : i32
    %broadcast_in_dim3A_713 = vector.broadcast %jit3A_712 : i32 to vector<16x10240xi32>
    %select_n3A_714 = arith.select %and3A_704, %broadcast_in_dim3A_713, %add3A_690 : vector<16x10240xi1>, vector<16x10240xi32>
    %add3A_715 = arith.addi %select_n3A_714, %concatenate3A_711 : vector<16x10240xi32>
    %gt3A_716 = arith.constant 0 : i32
    %gt3A_717 = vector.broadcast %gt3A_716 : i32 to vector<16x10240xi32>
    %gt3A_718 = arith.cmpi sgt, %add3A_715, %gt3A_717 : vector<16x10240xi32>
    %shift_right_arithmetic3A_719 = arith.constant 16 : i32
    %shift_right_arithmetic3A_720 = vector.broadcast %shift_right_arithmetic3A_719 : i32 to vector<16x10240xi32>
    %shift_right_arithmetic3A_721 = arith.shrsi %add3A_715, %shift_right_arithmetic3A_720 : vector<16x10240xi32>
    %sub3A_722 = arith.subi %iota3A, %shift_right_arithmetic3A_721 : vector<16x10240xi32>
    %and3A_723 = arith.constant 64 : i32
    %and3A_724 = vector.broadcast %and3A_723 : i32 to vector<16x10240xi32>
    %and3A_725 = arith.andi %sub3A_722, %and3A_724 : vector<16x10240xi32>
    %ne3A_726 = arith.constant 0 : i32
    %ne3A_727 = vector.broadcast %ne3A_726 : i32 to vector<16x10240xi32>
    %ne3A_728 = arith.cmpi ne, %and3A_725, %ne3A_727 : vector<16x10240xi32>
    %and3A_729 = arith.andi %gt3A_718, %ne3A_728 : vector<16x10240xi1>
    %jit3A_730 = arith.constant 0 : i32
    %broadcast_in_dim3A_731 = vector.broadcast %jit3A_730 : i32 to vector<16x10240xi32>
    %select_n3A_732 = arith.select %and3A_729, %add3A_715, %broadcast_in_dim3A_731 : vector<16x10240xi1>, vector<16x10240xi32>
    %slice3A_733 = vector.extract_strided_slice %select_n3A_732 {offsets = [0, 64], sizes = [16, 10176], strides = [1, 1]} : vector<16x10240xi32> to vector<16x10176xi32>
    %broadcast_in_dim3A_734 = arith.constant 0 : i32
    %broadcast_in_dim3A_735 = vector.broadcast %broadcast_in_dim3A_734 : i32 to vector<16x64xi32>
    %concatenate3A_736 = tpu.concatenate %slice3A_733, %broadcast_in_dim3A_735 in 1 : vector<16x10176xi32>, vector<16x64xi32> -> vector<16x10240xi32>
    %jit3A_737 = arith.constant 0 : i32
    %broadcast_in_dim3A_738 = vector.broadcast %jit3A_737 : i32 to vector<16x10240xi32>
    %select_n3A_739 = arith.select %and3A_729, %broadcast_in_dim3A_738, %add3A_715 : vector<16x10240xi1>, vector<16x10240xi32>
    %add3A_740 = arith.addi %select_n3A_739, %concatenate3A_736 : vector<16x10240xi32>
    %gt3A_741 = arith.constant 0 : i32
    %gt3A_742 = vector.broadcast %gt3A_741 : i32 to vector<16x10240xi32>
    %gt3A_743 = arith.cmpi sgt, %add3A_740, %gt3A_742 : vector<16x10240xi32>
    %shift_right_arithmetic3A_744 = arith.constant 16 : i32
    %shift_right_arithmetic3A_745 = vector.broadcast %shift_right_arithmetic3A_744 : i32 to vector<16x10240xi32>
    %shift_right_arithmetic3A_746 = arith.shrsi %add3A_740, %shift_right_arithmetic3A_745 : vector<16x10240xi32>
    %sub3A_747 = arith.subi %iota3A, %shift_right_arithmetic3A_746 : vector<16x10240xi32>
    %and3A_748 = arith.constant 128 : i32
    %and3A_749 = vector.broadcast %and3A_748 : i32 to vector<16x10240xi32>
    %and3A_750 = arith.andi %sub3A_747, %and3A_749 : vector<16x10240xi32>
    %ne3A_751 = arith.constant 0 : i32
    %ne3A_752 = vector.broadcast %ne3A_751 : i32 to vector<16x10240xi32>
    %ne3A_753 = arith.cmpi ne, %and3A_750, %ne3A_752 : vector<16x10240xi32>
    %and3A_754 = arith.andi %gt3A_743, %ne3A_753 : vector<16x10240xi1>
    %jit3A_755 = arith.constant 0 : i32
    %broadcast_in_dim3A_756 = vector.broadcast %jit3A_755 : i32 to vector<16x10240xi32>
    %select_n3A_757 = arith.select %and3A_754, %add3A_740, %broadcast_in_dim3A_756 : vector<16x10240xi1>, vector<16x10240xi32>
    %slice3A_758 = vector.extract_strided_slice %select_n3A_757 {offsets = [0, 128], sizes = [16, 10112], strides = [1, 1]} : vector<16x10240xi32> to vector<16x10112xi32>
    %broadcast_in_dim3A_759 = arith.constant 0 : i32
    %broadcast_in_dim3A_760 = vector.broadcast %broadcast_in_dim3A_759 : i32 to vector<16x128xi32>
    %concatenate3A_761 = tpu.concatenate %slice3A_758, %broadcast_in_dim3A_760 in 1 : vector<16x10112xi32>, vector<16x128xi32> -> vector<16x10240xi32>
    %jit3A_762 = arith.constant 0 : i32
    %broadcast_in_dim3A_763 = vector.broadcast %jit3A_762 : i32 to vector<16x10240xi32>
    %select_n3A_764 = arith.select %and3A_754, %broadcast_in_dim3A_763, %add3A_740 : vector<16x10240xi1>, vector<16x10240xi32>
    %add3A_765 = arith.addi %select_n3A_764, %concatenate3A_761 : vector<16x10240xi32>
    %gt3A_766 = arith.constant 0 : i32
    %gt3A_767 = vector.broadcast %gt3A_766 : i32 to vector<16x10240xi32>
    %gt3A_768 = arith.cmpi sgt, %add3A_765, %gt3A_767 : vector<16x10240xi32>
    %shift_right_arithmetic3A_769 = arith.constant 16 : i32
    %shift_right_arithmetic3A_770 = vector.broadcast %shift_right_arithmetic3A_769 : i32 to vector<16x10240xi32>
    %shift_right_arithmetic3A_771 = arith.shrsi %add3A_765, %shift_right_arithmetic3A_770 : vector<16x10240xi32>
    %sub3A_772 = arith.subi %iota3A, %shift_right_arithmetic3A_771 : vector<16x10240xi32>
    %and3A_773 = arith.constant 256 : i32
    %and3A_774 = vector.broadcast %and3A_773 : i32 to vector<16x10240xi32>
    %and3A_775 = arith.andi %sub3A_772, %and3A_774 : vector<16x10240xi32>
    %ne3A_776 = arith.constant 0 : i32
    %ne3A_777 = vector.broadcast %ne3A_776 : i32 to vector<16x10240xi32>
    %ne3A_778 = arith.cmpi ne, %and3A_775, %ne3A_777 : vector<16x10240xi32>
    %and3A_779 = arith.andi %gt3A_768, %ne3A_778 : vector<16x10240xi1>
    %jit3A_780 = arith.constant 0 : i32
    %broadcast_in_dim3A_781 = vector.broadcast %jit3A_780 : i32 to vector<16x10240xi32>
    %select_n3A_782 = arith.select %and3A_779, %add3A_765, %broadcast_in_dim3A_781 : vector<16x10240xi1>, vector<16x10240xi32>
    %slice3A_783 = vector.extract_strided_slice %select_n3A_782 {offsets = [0, 256], sizes = [16, 9984], strides = [1, 1]} : vector<16x10240xi32> to vector<16x9984xi32>
    %broadcast_in_dim3A_784 = arith.constant 0 : i32
    %broadcast_in_dim3A_785 = vector.broadcast %broadcast_in_dim3A_784 : i32 to vector<16x256xi32>
    %concatenate3A_786 = tpu.concatenate %slice3A_783, %broadcast_in_dim3A_785 in 1 : vector<16x9984xi32>, vector<16x256xi32> -> vector<16x10240xi32>
    %jit3A_787 = arith.constant 0 : i32
    %broadcast_in_dim3A_788 = vector.broadcast %jit3A_787 : i32 to vector<16x10240xi32>
    %select_n3A_789 = arith.select %and3A_779, %broadcast_in_dim3A_788, %add3A_765 : vector<16x10240xi1>, vector<16x10240xi32>
    %add3A_790 = arith.addi %select_n3A_789, %concatenate3A_786 : vector<16x10240xi32>
    %gt3A_791 = arith.constant 0 : i32
    %gt3A_792 = vector.broadcast %gt3A_791 : i32 to vector<16x10240xi32>
    %gt3A_793 = arith.cmpi sgt, %add3A_790, %gt3A_792 : vector<16x10240xi32>
    %shift_right_arithmetic3A_794 = arith.constant 16 : i32
    %shift_right_arithmetic3A_795 = vector.broadcast %shift_right_arithmetic3A_794 : i32 to vector<16x10240xi32>
    %shift_right_arithmetic3A_796 = arith.shrsi %add3A_790, %shift_right_arithmetic3A_795 : vector<16x10240xi32>
    %sub3A_797 = arith.subi %iota3A, %shift_right_arithmetic3A_796 : vector<16x10240xi32>
    %and3A_798 = arith.constant 512 : i32
    %and3A_799 = vector.broadcast %and3A_798 : i32 to vector<16x10240xi32>
    %and3A_800 = arith.andi %sub3A_797, %and3A_799 : vector<16x10240xi32>
    %ne3A_801 = arith.constant 0 : i32
    %ne3A_802 = vector.broadcast %ne3A_801 : i32 to vector<16x10240xi32>
    %ne3A_803 = arith.cmpi ne, %and3A_800, %ne3A_802 : vector<16x10240xi32>
    %and3A_804 = arith.andi %gt3A_793, %ne3A_803 : vector<16x10240xi1>
    %jit3A_805 = arith.constant 0 : i32
    %broadcast_in_dim3A_806 = vector.broadcast %jit3A_805 : i32 to vector<16x10240xi32>
    %select_n3A_807 = arith.select %and3A_804, %add3A_790, %broadcast_in_dim3A_806 : vector<16x10240xi1>, vector<16x10240xi32>
    %slice3A_808 = vector.extract_strided_slice %select_n3A_807 {offsets = [0, 512], sizes = [16, 9728], strides = [1, 1]} : vector<16x10240xi32> to vector<16x9728xi32>
    %broadcast_in_dim3A_809 = arith.constant 0 : i32
    %broadcast_in_dim3A_810 = vector.broadcast %broadcast_in_dim3A_809 : i32 to vector<16x512xi32>
    %concatenate3A_811 = tpu.concatenate %slice3A_808, %broadcast_in_dim3A_810 in 1 : vector<16x9728xi32>, vector<16x512xi32> -> vector<16x10240xi32>
    %jit3A_812 = arith.constant 0 : i32
    %broadcast_in_dim3A_813 = vector.broadcast %jit3A_812 : i32 to vector<16x10240xi32>
    %select_n3A_814 = arith.select %and3A_804, %broadcast_in_dim3A_813, %add3A_790 : vector<16x10240xi1>, vector<16x10240xi32>
    %add3A_815 = arith.addi %select_n3A_814, %concatenate3A_811 : vector<16x10240xi32>
    %gt3A_816 = arith.constant 0 : i32
    %gt3A_817 = vector.broadcast %gt3A_816 : i32 to vector<16x10240xi32>
    %gt3A_818 = arith.cmpi sgt, %add3A_815, %gt3A_817 : vector<16x10240xi32>
    %shift_right_arithmetic3A_819 = arith.constant 16 : i32
    %shift_right_arithmetic3A_820 = vector.broadcast %shift_right_arithmetic3A_819 : i32 to vector<16x10240xi32>
    %shift_right_arithmetic3A_821 = arith.shrsi %add3A_815, %shift_right_arithmetic3A_820 : vector<16x10240xi32>
    %sub3A_822 = arith.subi %iota3A, %shift_right_arithmetic3A_821 : vector<16x10240xi32>
    %and3A_823 = arith.constant 1024 : i32
    %and3A_824 = vector.broadcast %and3A_823 : i32 to vector<16x10240xi32>
    %and3A_825 = arith.andi %sub3A_822, %and3A_824 : vector<16x10240xi32>
    %ne3A_826 = arith.constant 0 : i32
    %ne3A_827 = vector.broadcast %ne3A_826 : i32 to vector<16x10240xi32>
    %ne3A_828 = arith.cmpi ne, %and3A_825, %ne3A_827 : vector<16x10240xi32>
    %and3A_829 = arith.andi %gt3A_818, %ne3A_828 : vector<16x10240xi1>
    %jit3A_830 = arith.constant 0 : i32
    %broadcast_in_dim3A_831 = vector.broadcast %jit3A_830 : i32 to vector<16x10240xi32>
    %select_n3A_832 = arith.select %and3A_829, %add3A_815, %broadcast_in_dim3A_831 : vector<16x10240xi1>, vector<16x10240xi32>
    %slice3A_833 = vector.extract_strided_slice %select_n3A_832 {offsets = [0, 1024], sizes = [16, 9216], strides = [1, 1]} : vector<16x10240xi32> to vector<16x9216xi32>
    %broadcast_in_dim3A_834 = arith.constant 0 : i32
    %broadcast_in_dim3A_835 = vector.broadcast %broadcast_in_dim3A_834 : i32 to vector<16x1024xi32>
    %concatenate3A_836 = tpu.concatenate %slice3A_833, %broadcast_in_dim3A_835 in 1 : vector<16x9216xi32>, vector<16x1024xi32> -> vector<16x10240xi32>
    %jit3A_837 = arith.constant 0 : i32
    %broadcast_in_dim3A_838 = vector.broadcast %jit3A_837 : i32 to vector<16x10240xi32>
    %select_n3A_839 = arith.select %and3A_829, %broadcast_in_dim3A_838, %add3A_815 : vector<16x10240xi1>, vector<16x10240xi32>
    %add3A_840 = arith.addi %select_n3A_839, %concatenate3A_836 : vector<16x10240xi32>
    %gt3A_841 = arith.constant 0 : i32
    %gt3A_842 = vector.broadcast %gt3A_841 : i32 to vector<16x10240xi32>
    %gt3A_843 = arith.cmpi sgt, %add3A_840, %gt3A_842 : vector<16x10240xi32>
    %shift_right_arithmetic3A_844 = arith.constant 16 : i32
    %shift_right_arithmetic3A_845 = vector.broadcast %shift_right_arithmetic3A_844 : i32 to vector<16x10240xi32>
    %shift_right_arithmetic3A_846 = arith.shrsi %add3A_840, %shift_right_arithmetic3A_845 : vector<16x10240xi32>
    %sub3A_847 = arith.subi %iota3A, %shift_right_arithmetic3A_846 : vector<16x10240xi32>
    %and3A_848 = arith.constant 2048 : i32
    %and3A_849 = vector.broadcast %and3A_848 : i32 to vector<16x10240xi32>
    %and3A_850 = arith.andi %sub3A_847, %and3A_849 : vector<16x10240xi32>
    %ne3A_851 = arith.constant 0 : i32
    %ne3A_852 = vector.broadcast %ne3A_851 : i32 to vector<16x10240xi32>
    %ne3A_853 = arith.cmpi ne, %and3A_850, %ne3A_852 : vector<16x10240xi32>
    %and3A_854 = arith.andi %gt3A_843, %ne3A_853 : vector<16x10240xi1>
    %jit3A_855 = arith.constant 0 : i32
    %broadcast_in_dim3A_856 = vector.broadcast %jit3A_855 : i32 to vector<16x10240xi32>
    %select_n3A_857 = arith.select %and3A_854, %add3A_840, %broadcast_in_dim3A_856 : vector<16x10240xi1>, vector<16x10240xi32>
    %slice3A_858 = vector.extract_strided_slice %select_n3A_857 {offsets = [0, 2048], sizes = [16, 8192], strides = [1, 1]} : vector<16x10240xi32> to vector<16x8192xi32>
    %broadcast_in_dim3A_859 = arith.constant 0 : i32
    %broadcast_in_dim3A_860 = vector.broadcast %broadcast_in_dim3A_859 : i32 to vector<16x2048xi32>
    %concatenate3A_861 = tpu.concatenate %slice3A_858, %broadcast_in_dim3A_860 in 1 : vector<16x8192xi32>, vector<16x2048xi32> -> vector<16x10240xi32>
    %jit3A_862 = arith.constant 0 : i32
    %broadcast_in_dim3A_863 = vector.broadcast %jit3A_862 : i32 to vector<16x10240xi32>
    %select_n3A_864 = arith.select %and3A_854, %broadcast_in_dim3A_863, %add3A_840 : vector<16x10240xi1>, vector<16x10240xi32>
    %add3A_865 = arith.addi %select_n3A_864, %concatenate3A_861 : vector<16x10240xi32>
    %gt3A_866 = arith.constant 0 : i32
    %gt3A_867 = vector.broadcast %gt3A_866 : i32 to vector<16x10240xi32>
    %gt3A_868 = arith.cmpi sgt, %add3A_865, %gt3A_867 : vector<16x10240xi32>
    %shift_right_arithmetic3A_869 = arith.constant 16 : i32
    %shift_right_arithmetic3A_870 = vector.broadcast %shift_right_arithmetic3A_869 : i32 to vector<16x10240xi32>
    %shift_right_arithmetic3A_871 = arith.shrsi %add3A_865, %shift_right_arithmetic3A_870 : vector<16x10240xi32>
    %sub3A_872 = arith.subi %iota3A, %shift_right_arithmetic3A_871 : vector<16x10240xi32>
    %and3A_873 = arith.constant 4096 : i32
    %and3A_874 = vector.broadcast %and3A_873 : i32 to vector<16x10240xi32>
    %and3A_875 = arith.andi %sub3A_872, %and3A_874 : vector<16x10240xi32>
    %ne3A_876 = arith.constant 0 : i32
    %ne3A_877 = vector.broadcast %ne3A_876 : i32 to vector<16x10240xi32>
    %ne3A_878 = arith.cmpi ne, %and3A_875, %ne3A_877 : vector<16x10240xi32>
    %and3A_879 = arith.andi %gt3A_868, %ne3A_878 : vector<16x10240xi1>
    %jit3A_880 = arith.constant 0 : i32
    %broadcast_in_dim3A_881 = vector.broadcast %jit3A_880 : i32 to vector<16x10240xi32>
    %select_n3A_882 = arith.select %and3A_879, %add3A_865, %broadcast_in_dim3A_881 : vector<16x10240xi1>, vector<16x10240xi32>
    %slice3A_883 = vector.extract_strided_slice %select_n3A_882 {offsets = [0, 4096], sizes = [16, 6144], strides = [1, 1]} : vector<16x10240xi32> to vector<16x6144xi32>
    %broadcast_in_dim3A_884 = arith.constant 0 : i32
    %broadcast_in_dim3A_885 = vector.broadcast %broadcast_in_dim3A_884 : i32 to vector<16x4096xi32>
    %concatenate3A_886 = tpu.concatenate %slice3A_883, %broadcast_in_dim3A_885 in 1 : vector<16x6144xi32>, vector<16x4096xi32> -> vector<16x10240xi32>
    %jit3A_887 = arith.constant 0 : i32
    %broadcast_in_dim3A_888 = vector.broadcast %jit3A_887 : i32 to vector<16x10240xi32>
    %select_n3A_889 = arith.select %and3A_879, %broadcast_in_dim3A_888, %add3A_865 : vector<16x10240xi1>, vector<16x10240xi32>
    %add3A_890 = arith.addi %select_n3A_889, %concatenate3A_886 : vector<16x10240xi32>
    %gt3A_891 = arith.constant 0 : i32
    %gt3A_892 = vector.broadcast %gt3A_891 : i32 to vector<16x10240xi32>
    %gt3A_893 = arith.cmpi sgt, %add3A_890, %gt3A_892 : vector<16x10240xi32>
    %shift_right_arithmetic3A_894 = arith.constant 16 : i32
    %shift_right_arithmetic3A_895 = vector.broadcast %shift_right_arithmetic3A_894 : i32 to vector<16x10240xi32>
    %shift_right_arithmetic3A_896 = arith.shrsi %add3A_890, %shift_right_arithmetic3A_895 : vector<16x10240xi32>
    %sub3A_897 = arith.subi %iota3A, %shift_right_arithmetic3A_896 : vector<16x10240xi32>
    %and3A_898 = arith.constant 8192 : i32
    %and3A_899 = vector.broadcast %and3A_898 : i32 to vector<16x10240xi32>
    %and3A_900 = arith.andi %sub3A_897, %and3A_899 : vector<16x10240xi32>
    %ne3A_901 = arith.constant 0 : i32
    %ne3A_902 = vector.broadcast %ne3A_901 : i32 to vector<16x10240xi32>
    %ne3A_903 = arith.cmpi ne, %and3A_900, %ne3A_902 : vector<16x10240xi32>
    %and3A_904 = arith.andi %gt3A_893, %ne3A_903 : vector<16x10240xi1>
    %jit3A_905 = arith.constant 0 : i32
    %broadcast_in_dim3A_906 = vector.broadcast %jit3A_905 : i32 to vector<16x10240xi32>
    %select_n3A_907 = arith.select %and3A_904, %add3A_890, %broadcast_in_dim3A_906 : vector<16x10240xi1>, vector<16x10240xi32>
    %slice3A_908 = vector.extract_strided_slice %select_n3A_907 {offsets = [0, 8192], sizes = [16, 2048], strides = [1, 1]} : vector<16x10240xi32> to vector<16x2048xi32>
    %broadcast_in_dim3A_909 = arith.constant 0 : i32
    %broadcast_in_dim3A_910 = vector.broadcast %broadcast_in_dim3A_909 : i32 to vector<16x8192xi32>
    %concatenate3A_911 = tpu.concatenate %slice3A_908, %broadcast_in_dim3A_910 in 1 : vector<16x2048xi32>, vector<16x8192xi32> -> vector<16x10240xi32>
    %jit3A_912 = arith.constant 0 : i32
    %broadcast_in_dim3A_913 = vector.broadcast %jit3A_912 : i32 to vector<16x10240xi32>
    %select_n3A_914 = arith.select %and3A_904, %broadcast_in_dim3A_913, %add3A_890 : vector<16x10240xi1>, vector<16x10240xi32>
    %add3A_915 = arith.addi %select_n3A_914, %concatenate3A_911 : vector<16x10240xi32>
    %slice3A_916 = vector.extract_strided_slice %add3A_915 {offsets = [0, 0], sizes = [16, 128], strides = [1, 1]} : vector<16x10240xi32> to vector<16x128xi32>
    %and3A_917 = arith.constant 65535 : i32
    %and3A_918 = vector.broadcast %and3A_917 : i32 to vector<16x128xi32>
    %and3A_919 = arith.andi %slice3A_916, %and3A_918 : vector<16x128xi32>
    %sub3A_920 = arith.constant 1 : i32
    %sub3A_921 = vector.broadcast %sub3A_920 : i32 to vector<16x128xi32>
    %sub3A_922 = arith.subi %and3A_919, %sub3A_921 : vector<16x128xi32>
    %swap3A_923 = arith.constant 0 : index
    %swap3A_924 = arith.constant 0 : index
    %swap3A_925 = vector.load %arg8[%swap3A_923, %swap3A_924] : memref<16x128xi32, #tpu.memory_space<vmem>>, vector<16x128xi32>
    tpu.vector_store %arg8[%swap3A_923, %swap3A_924], %sub3A_922 {strides = array<i32>} : memref<16x128xi32, #tpu.memory_space<vmem>>, vector<16x128xi32>,
    return
  }
  func.func @transform_0(%arg0: i32) -> (i32, i32) {
    %c0_i32 = arith.constant 0 : i32
    %c0_i32_0 = arith.constant 0 : i32
    %c0_i32_1 = arith.constant 0 : i32
    return %c0_i32, %c0_i32_0 : i32, i32
  }
  func.func @transform_1(%arg0: i32) -> (i32, i32) {
    %c0_i32 = arith.constant 0 : i32
    %c0_i32_0 = arith.constant 0 : i32
    %c0_i32_1 = arith.constant 0 : i32
    return %c0_i32, %c0_i32_0 : i32, i32
  }
  func.func @transform_2(%arg0: i32) -> (i32, i32) {
    %c0_i32 = arith.constant 0 : i32
    %c0_i32_0 = arith.constant 0 : i32
    %c0_i32_1 = arith.constant 0 : i32
    return %c0_i32, %c0_i32_0 : i32, i32
  }
  func.func @transform_3(%arg0: i32) -> (i32, i32) {
    %c0_i32 = arith.constant 0 : i32
    %c0_i32_0 = arith.constant 0 : i32
    return %arg0, %c0_i32 : i32, i32
  }
  func.func @transform_4(%arg0: i32) -> (i32, i32) {
    %c0_i32 = arith.constant 0 : i32
    %c0_i32_0 = arith.constant 0 : i32
    return %arg0, %c0_i32 : i32, i32
  }
  func.func @transform_5(%arg0: i32) -> (i32, i32) {
    %c0_i32 = arith.constant 0 : i32
    %c0_i32_0 = arith.constant 0 : i32
    return %arg0, %c0_i32 : i32, i32
  }
  func.func @transform_6(%arg0: i32) -> (i32, i32) {
    %c0_i32 = arith.constant 0 : i32
    %c0_i32_0 = arith.constant 0 : i32
    return %arg0, %c0_i32 : i32, i32
  }
  func.func @transform_7(%arg0: i32) -> (i32, i32) {
    %c0_i32 = arith.constant 0 : i32
    %c0_i32_0 = arith.constant 0 : i32
    return %arg0, %c0_i32 : i32, i32
  }
}

</mosaic_0001>

<sc_bundles>
// kernel: sparse-core-data-format-call.1.cloned.1.call-start
scs
called_computation.1_lowered:
.L_overlay_start_0:
0x0: {  	s1 =	sld [smem:$0x3FD9]  }
0x1: {  	s2 =	sld [smem:$0x3FFE];
	_ =	sdelay $0x1  }
0x2: {  	s3 =	srdreg.scid  }
0x3: {  	s0 =	sand.u32 $0x1, s3  }
0x4: {  	s17 =	sshll.u32 s0, $0xA;
	s1 =	sadd.s32 s2, s1  }
0x5: {  	s1 =	sadd.s32 s1, s17  }
0x6: {  	[smem:$0x3FBD] =	sst s1  }
0x7: {  	_ = 	snop  }
0x8: {  	(tm) =	ssettm $0x1  }
0x9: {  	s18 =	sld [smem:$0x3FFB];
	_ =	sdelay $0x3  }
0xa: {  	_ =	strace s18  }
0xb: {  	s1 =	sld [smem:$0x3FFC];
	_ =	sdelay $0x3  }
0xc: {  	_ =	strace s1  }
0xd: {  	s1 =	sld [smem:$0x3FFD];
	_ =	sdelay $0x3  }
0xe: {  	_ =	strace s1  }
0xf: {  	_ =	strace $0x8FFFFFFF  }
0x10: {  	s19 =	sld [smem:$0x3FDB];
	_ =	sdelay $0x1  }
0x11: {  	s20 =	simm.s32 $_scs_section_size  }
0x12: {  	s4 =	simm.s32 $_size__tile_overlayer_lowered;
	s5 =	simm.s32 $_tile_overlayer_lowered  }
0x13: {  	s23 =	simm.s32 $0x1BFF;
	s22 =	sshll.u32 s5, $0x1;
	s1 =	sadd.s32 s20, s19  }
0x14: {  	s6 =	simm.s32 $0x0;
	s21 =	sshll.u32 s4, $0x1;
	s4 =	sadd.s32 s22, s1  }
0x15: {  	[timem:s6], [sflag:s23] =	dma.local [hbm:s4], s21  }
0x16: {  	_ =	swait.ge [sflag:s23], s21  }
0x17: {  	s2 =	ssub.s32 $0x0, s21;
	[sflag:s23] =	ssyncset.done $0x0  }
0x18: {  	[sflag:s23] =	ssyncadd.s32 s2;
	_ =	sdelay $0x1  }
0x19: {  	s24 =	simm.s32 $0x1B8B  }
0x1a: {  	_ =	swait.ge [sflag:s24], $0x1  }
0x1b: {  	[sflag:s24] =	ssyncset.done $0x0  }
0x1c: {  	s26 =	simm.s32 $0x1B8E;
	s25 =	sld [smem:$0x3FFE];
	[sflag:s24] =	ssyncadd.s32 $0xFFFFFFFF  }
0x1d: {  	s27 =	simm.s32 $execute0_lowered;
	[smem:$0x3FD2] =	sst s26  }
0x1e: {  	s4 =	sshll.u32 s27, $0x1;
	_ =	strace $0x80000046;
	[dreg:$0x1] =	wrdreg $0xFFFFFFFF  }
0x1f: {  	s28 =	simm.s32 $_size_execute0_lowered;
	s1 =	sadd.s32 s1, s4;
	[dreg:$0x0] =	wrdreg $0x0  }
0x20: {  	s4 =	sshll.u32 s28, $0x1;
	[dreg:$0x2] =	wrdreg s1  }
0x21: {  	[dreg:$0x3] =	wrdreg s4  }
0x22: {  	[dreg:$0x4] =	wrdreg $0xC0  }
0x23: {  	_ =	task [dreg:s6], $0x5FFFF  }
0x24: {  	[dreg:$0x1] =	wrdreg $0xFFFFFFFF  }
0x25: {  	[dreg:$0x0] =	wrdreg $0x60  }
0x26: {  	[dreg:$0x2] =	wrdreg s25  }
0x27: {  	[dreg:$0x3] =	wrdreg $0xA  }
0x28: {  	_ =	task.clear_ibuf [dreg:s6], $0x4FFFF;
	_ =	strace $0x90000046  }
0x29: {  	s29 =	simm.s32 $0xA;
	_ =	strace $0x80000048  }
0x2a: {  	_ =	swait.ge [sflag:s29], $0x1  }
0x2b: {  	[sflag:s29] =	ssyncadd.s32 $0xFFFFFFFF  }
0x2c: {  	_ =	strace $0x90000048  }
0x2d: {  	_ =	sfence  }
0x2e: {  	s30 =	sld [smem:$0x0];
	_ =	sdelay $0x2  }
0x2f: {  	s31 =	sshll.u32 s3, $0xD;
	s3 =	sshrl.u32 s3, $0x2  }
0x30: {  	s2 =	sand.u32 $0x4000, s31;
	s1 =	sadd.s32 s3, s30  }
0x31: {  	s0 =	sor.u32 s2, s0;
	s1 =	sshll.u32 s1, $0x11  }
0x32: {  	s0 =	sor.u32 s1, s0  }
0x33: {  	s0 =	sadd.s32 $0x8F2B, s0  }
0x34: {  	[sflag:s0] =	ssyncadd.remote.s32 $0x1  }
0x35: {  	_ =	sfence.sel $0xFFFF  }
0x36: {  	[dreg:$0x0] =	wrdreg $0xFFFFFFFF;
	(pc) =	sbr.abs _section_cstart, $3  }
0x37: {  	[dreg:$0x1] =	wrdreg $0xFFFFFFFF  }
0x38: {  	_ =	task.clear_ibuf [dreg:s6], $0x2FFFF;
	_ =	strace $0x9FFFFFFF  }
0x39: {  	(tm) =	ssettm $0x7FFFFFFF  }
tec
execute0_lowered:
.L_overlay_start_1:
0x0: {  	(tag) =	ssettag $0x1  }
0x1: {  	s0 =	srdreg.scid  }
0x2: {  	s1 =	sshll.u32 s0, $0x4  }
0x3: {  	s4 =	rddreg [dreg:$0x0];
	s0 =	stileid.u32;
	s1 =	sand.u32 $0x10, s1  }
0x4: {  	s7 =	simm.s32 $0x1;
	s8 =	simm.s32 $0x2;
	s1 =	sor.u32 s0, s1  }
0x5: {  	s11 =	simm.s32 $0x0;
	s10 =	simm.s32 $0x0;
	s2 =	sshll.u32 s1, $0x7  }
0x6: {  	s3 =	sadd.s32 $0x20200, s4;
	s4 =	sadd.s32 $0x291200, s4;
	s6 =	ssub.s32 $0x4E200, s2  }
.Ltmp0:
0x7: {  	s1 =	rddreg [dreg:$0x1];
	s5 =	sand.u32 $0xF80, s6;
	(pc) =	sbr.rel .LBB1_1-.Ltmp0, $4  }
0x8: {  	_ =	strace $0x80000047;
	s9 =	smov.u32 s2;
	p0 =	sne.s32 s5, $0x0  }
0x9: {  	s6 =	sshrl.u32 s6, $0xC;
	s5 =	simm.s32 $0x1;
	s7 =	simm.s32 @!p0 $0x0  }
0xa: {  	[sflag:s5] =	ssyncpa.u1 $0x0;
	p0 =	por $0x0, $0x0;
	s6 =	sadd.s32 s7, s6  }
0xb: {  	[sflag:s8] =	ssyncpa.u1 $0x0;
	s8 =	simm.s32 $0x138800;
	s7 =	sadd.s32 $0x1, s6  }
.LBB1_4:
0xc: {  	s15 =	sshll.u32 s11, $0x3;
	s26 =	sshll.u32 s11, $0x1  }
0xd: {  	s15 =	sand.u32 $0xFFFFFC00, s15;
	s11 =	sand.u32 $0xFE, s26  }
0xe: {  	s11 =	sor.u32 s11, s15  }
0xf: {  	s16 =	smulhi.u32 $0xD1B71759, s11  }
0x10: {  	v2 =	vcombine.high v4, v2;
	[tilespmem:s13+$0x810 ss:$0x81] =	vst.msk $0xffff, v8;
	s17 =	sand.u32 $0x7C, s14;
	v3 =	vperm.xlane.i2c.b16 v3;
	s27 =	sand.u32 $0x80, s14  }
0x11: {  	v1 =	vperm.xlane.i2c.b16 v1;
	[tilespmem:s13+$0x0 ss:$0x81] =	vst.msk $0xffff, v7;
	v60 =	vperm.xlane.i2c.b16 v6;
	s17 =	sshrl.u32 s17, $0x1;
	s15 =	smulhi.u32 $0xD1B71759, s15;
	s16 =	sshrl.u32 s16, $0x12  }
0x12: {  	s14 =	sshrl.u32 s27, $0x1;
	[tilespmem:s13+$0x811 ss:$0x81] =	vst.msk $0xffff, v5;
	s17 =	sadd.s32 s17, s12;
	v61 =	vcombine.low v3, v0;
	s16 =	smul.u32 $0x4E200, s16  }
0x13: {  	[tilespmem:s13+$0x1 ss:$0x81] =	vst.msk $0xffff, v2;
	v62 =	vcombine.low v60, v1;
	s28 =	sadd.s32 s14, s17;
	s29 =	sshrl.u32 s15, $0x12  }
0x14: {  	v1 =	vcombine.high v60, v1;
	[tilespmem:s28+$0x810 ss:$0x81] =	vst.msk $0xffff, v61;
	s14 =	sand.u32 $0x3F, s29;
	s11 =	ssub.s32 s11, s16  }
0x15: {  	v63 =	vcombine.high v3, v0;
	[tilespmem:s28+$0x0 ss:$0x81] =	vst.msk $0xffff, v62;
	s14 =	smul.u32 $0x4E20, s14;
	s30 =	sshrl.u32 s11, $0x4;
	s11 =	sshll.u32 s11, $0x11  }
0x16: {  	[tilespmem:s28+$0x1 ss:$0x81] =	vst.msk $0xffff, v1;
	s15 =	sadd.s32 s4, s30;
	s11 =	sand.u32 $0x1C0000, s11  }
0x17: {  	[tilespmem:s28+$0x811 ss:$0x81] =	vst.msk $0xffff, v63;
	s31 =	sadd.s32 s14, s15;
	s11 =	sor.u32 $0x200, s11  }
0x18: {  	[hbm4b:s31+s11] =	stream.strided.scatter [tilespmem:s12], [sflag:$0x2], $0x1000, s8, s11, $0x20;
	[tilespmem:$0x4040] =	vst v63  }
.LBB1_5:
0x19: {  	s13 =	sadd.s32 $0x1000, s9  }
0x1a: {  	p2 =	sgt.s32 s13, $0x4E1FF  }
0x1b: {  	s13 =	smov.u32 @p2 s2;
	p2 =	sne.s32 s10, s7  }
.Ltmp1:
0x1c: {  	p1 =	slt.u32 s10, $0x2;
	(pc) =	sbr.rel @!p2 .LBB1_6-.Ltmp1, $4  }
0x1d: {  	s12 =	simm.s32 @!p1 $0x2  }
0x1e: {  	s14 =	sadd.s32 $0x1, s10;
	_ =	swait.ge @!p1 [sflag:s12], $0x1000  }
0x1f: {  	s11 =	smov.u32 s9;
	p0 =	por !p0, !p0;
	[sflag:s12] =	ssyncset.done @!p1 $0x0  }
0x20: {  	s10 =	smov.u32 s14;
	s9 =	smov.u32 s13;
	[sflag:s12] =	ssyncadd.s32 @!p1 $0xFFFFF000  }
.LBB1_1:
0x21: {  	p1 =	sge.u32 s10, s6  }
0x22: {  	s12 =	sand.u32 @!p1 $0x1FFFFFE, s9  }
0x23: {  	s13 =	smulhi.u32 @!p1 $0x1A36E2F, s12;
	_ =	sdelay $0x1  }
0x24: {  	s13 =	sshrl.u32 @!p1 s13, $0xB  }
0x25: {  	s13 =	smul.u32 @!p1 $0x4E200, s13;
	_ =	sdelay $0x1  }
0x26: {  	s31 =	sadd.s32 $0xFFFFFFFF, s10;
	s12 =	ssub.s32 @!p1 s12, s13;
	s13 =	sxor.u32 @!p1 $0xFFFFFFFF, s10  }
0x27: {  	s14 =	simm.s32 @!p1 $0x40;
	s12 =	sshll.u32 @!p1 s12, $0x3;
	s13 =	sshll.u32 @!p1 s13, $0xC  }
0x28: {  	s15 =	simm.s32 @!p1 $0x80;
	s12 =	sadd.s32 @!p1 s3, s12;
	s13 =	sand.u32 @!p1 $0x1000, s13  }
0x29: {  	[tilespmem:s13], [sflag:$0x1] =	stream.strided.gather @!p1 [hbm4b:s12+s14], $0x1000, s15, s14, $0x38;
	[tilespmem:$0x4040] =	vst v63  }
0x2a: {  	p1 =	sge.u32 s31, s6  }
.Ltmp2:
0x2b: {  	_ = 	snop;
	(pc) =	sbr.rel @p1 .LBB1_5-.Ltmp2, $1  }
0x2c: {  	_ =	sdelay $0x3  }
0x2d: {  	s12 =	simm.s32 $0x1  }
0x2e: {  	_ =	swait.ge [sflag:s5], $0x1000;
	s12 =	simm.s32 @!p0 $0x0  }
0x2f: {  	[sflag:s5] =	ssyncset.done $0x0;
	s12 =	sshll.u32 s12, $0xC  }
0x30: {  	[sflag:s5] =	ssyncadd.s32 $0xFFFFF000;
	s12 =	sor.u32 $0x20, s12  }
0x31: {  	v0 =	vld [tilespmem:s12+$0x10]  }
0x32: {  	v1 =	vld [tilespmem:s12+$0xFFFFFFF0]  }
0x33: {  	v4 =	vld [tilespmem:s12+$0xFFFFFFE0]  }
0x34: {  	v3 =	vld [tilespmem:s12+$0x0];
	s14 =	sadd.s32 $0x40, s12  }
0x35: {  	s13 =	sand.u32 $0x1, s10;
	v5 =	vld [tilespmem:s14+$0x10]  }
0x36: {  	s30 =	smul.u32 $0x4080, s13  }
0x37: {  	s31 =	simm.s32 $0x0  }
0x38: {  	s15 =	sand.u32 $0x7C, s31;
	s12 =	sshrl.u32 s30, $0x2;
	v6 =	vld [tilespmem:s14+$0xFFFFFFE0];
	v2 =	vperm.xlane.i2c.b16 v1;
	v4 =	vperm.xlane.i2c.b16 v4  }
0x39: {  	s13 =	sand.u32 $0x80, s31;
	s16 =	sshrl.u32 s15, $0x1;
	s12 =	sor.u32 $0x2000, s12;
	v9 =	vperm.xlane.i2c.b16 v0;
	v10 =	vperm.xlane.i2c.b16 v3;
	v1 =	vld [tilespmem:s14+$0xFFFFFFF0]  }
0x3a: {  	s15 =	simm.s32 $0x2;
	s13 =	sshrl.u32 s13, $0x1;
	s17 =	sadd.s32 s16, s12;
	v3 =	vld [tilespmem:s14+$0x0];
	v0 =	vperm.xlane.i2c.b16 v5;
	v7 =	vcombine.low v4, v2  }
0x3b: {  	s16 =	sadd.s32 $0x40, s14;
	s13 =	sadd.s32 s13, s17;
	s14 =	simm.s32 $0x4;
	v8 =	vcombine.low v10, v9;
	v5 =	vcombine.high v10, v9  }
.LBB1_3:
0x3c: {  	s15 =	sadd.s32 $0x2, s15  }
0x3d: {  	v9 =	vld [tilespmem:s16+$0x10];
	v10 =	vcombine.high v4, v2;
	[tilespmem:s13+$0x810 ss:$0x81] =	vst.msk $0xffff, v8;
	p1 =	slt.u32 s15, $0x7E  }
.Ltmp3:
0x3e: {  	v2 =	vperm.xlane.i2c.b16 v1;
	v1 =	vld [tilespmem:s16+$0xFFFFFFF0];
	[tilespmem:s13+$0x0 ss:$0x81] =	vst.msk $0xffff, v7;
	(pc) =	sbr.rel @p1 .LBB1_3-.Ltmp3, $4  }
0x3f: {  	s17 =	sand.u32 $0x7C, s14;
	v4 =	vperm.xlane.i2c.b16 v6;
	v11 =	vperm.xlane.i2c.b16 v3;
	v3 =	vld [tilespmem:s16+$0x0];
	[tilespmem:s13+$0x1 ss:$0x81] =	vst.msk $0xffff, v10  }
0x40: {  	s18 =	sand.u32 $0x80, s14;
	s17 =	sshrl.u32 s17, $0x1;
	v6 =	vld [tilespmem:s16+$0xFFFFFFE0];
	[tilespmem:s13+$0x811 ss:$0x81] =	vst.msk $0xffff, v5  }
0x41: {  	v7 =	vcombine.low v4, v2;
	v8 =	vcombine.low v11, v0;
	s13 =	sadd.s32 s17, s12;
	s17 =	sshrl.u32 s18, $0x1  }
0x42: {  	s14 =	sadd.s32 $0x4, s14;
	s16 =	sadd.s32 $0x40, s16;
	v5 =	vcombine.high v11, v0;
	s13 =	sadd.s32 s17, s13;
	v0 =	vperm.xlane.i2c.b16 v9  }
.Ltmp4:
0x43: {  	_ = 	snop;
	(pc) =	sbr.rel .LBB1_4-.Ltmp4, $1  }
0x44: {  	_ =	sdelay $0x3  }
.LBB1_6:
0x45: {  	_ =	sfence.sel $0x180000  }
0x46: {  	s2 =	simm.s32 $0x1;
	[bflag:$0x0] =	sbarrier.arrive $0xFFFF  }
0x47: {  	s31 =	simm.s32 $0x2;
	[sflag:s2] =	ssyncpa.u1 $0x1  }
0x48: {  	[sflag:s31] =	ssyncpa.u1 $0x1  }
0x49: {  	p0 =	sne.s32 s0, $0x0;
	_ =	strace $0x90000047  }
0x4a: {  	s0 =	sadd.s32 @!p0 $0x100000, s1;
	[bflag:$0x2] =	sbarrier.arrive $0xFFFF  }
0x4b: {  	[sflag:s0] =	ssyncadd.tile.s32 @!p0 $0x1;
	_ =	shalt  }
.Lfunc_end1:
_tile_overlayer_lowered:
.L_overlay_start_2:
0x4c: {  	(tag) =	ssettag $0x2  }
0x4d: {  	s0 =	rddreg [dreg:$0x0];
	s2 =	stileid.u32  }
0x4e: {  	s1 =	rddreg [dreg:$0x1];
	p0 =	sne.s32 s2, $0x0  }
0x4f: {  	s3 =	rddreg [dreg:$0x2];
	[bflag:$0x3] =	sbarrier.arrive $0xFFFF;
	s2 =	simm.s32 @!p0 $0x1C01  }
0x50: {  	[timem:s3], [sflag:s2] =	dma.local @!p0 [hbm:s0], s1  }
0x51: {  	s0 =	simm.s32 @!p0 $0x1  }
0x52: {  	_ =	swait.ge @!p0 [sflag:s0], s1  }
0x53: {  	s1 =	ssub.s32 @!p0 $0x0, s1;
	[sflag:s0] =	ssyncset.done @!p0 $0x0  }
0x54: {  	[sflag:s0] =	ssyncadd.s32 @!p0 s1  }
0x55: {  	[bflag:$0x3] =	sbarrier.arrive $0xFFFF  }
0x56: {  	_ =	shalt  }

// kernel: sparse-core-data-format-call.cloned.1.call-start
scs
called_computation_lowered:
.L_overlay_start_0:
0x0: {  	s2 =	sld [smem:$0x3FD9]  }
0x1: {  	s3 =	sld [smem:$0x3FFE];
	_ =	sdelay $0x1  }
0x2: {  	s1 =	srdreg.scid  }
0x3: {  	s0 =	sand.u32 $0x1, s1  }
0x4: {  	s18 =	sshll.u32 s0, $0xA;
	s2 =	sadd.s32 s3, s2  }
0x5: {  	s2 =	sadd.s32 s2, s18  }
0x6: {  	[smem:$0x3FBD] =	sst s2  }
0x7: {  	_ = 	snop  }
0x8: {  	(tm) =	ssettm $0x1  }
0x9: {  	s19 =	sld [smem:$0x3FFB];
	_ =	sdelay $0x3  }
0xa: {  	_ =	strace s19  }
0xb: {  	s2 =	sld [smem:$0x3FFC];
	_ =	sdelay $0x3  }
0xc: {  	_ =	strace s2  }
0xd: {  	s2 =	sld [smem:$0x3FFD];
	_ =	sdelay $0x3  }
0xe: {  	_ =	strace s2  }
0xf: {  	_ =	strace $0x8FFFFFFF  }
0x10: {  	s20 =	sld [smem:$0x3FDB];
	_ =	sdelay $0x1  }
0x11: {  	s21 =	simm.s32 $_scs_section_size  }
0x12: {  	s4 =	simm.s32 $_size__tile_overlayer_lowered;
	s5 =	simm.s32 $_tile_overlayer_lowered  }
0x13: {  	s6 =	simm.s32 $0x1BFF;
	s22 =	sshll.u32 s5, $0x1;
	s3 =	sadd.s32 s21, s20  }
0x14: {  	s23 =	simm.s32 $0x0;
	s4 =	sshll.u32 s4, $0x1;
	s5 =	sadd.s32 s22, s3  }
0x15: {  	[timem:s23], [sflag:s6] =	dma.local [hbm:s5], s4  }
0x16: {  	_ =	swait.ge [sflag:s6], s4  }
0x17: {  	s4 =	ssub.s32 $0x0, s4;
	[sflag:s6] =	ssyncset.done $0x0  }
0x18: {  	[sflag:s6] =	ssyncadd.s32 s4;
	_ =	sdelay $0x1  }
0x19: {  	s24 =	simm.s32 $0x1B8B  }
0x1a: {  	_ =	swait.ge [sflag:s24], $0x1  }
0x1b: {  	[sflag:s24] =	ssyncset.done $0x0  }
0x1c: {  	[sflag:s24] =	ssyncadd.s32 $0xFFFFFFFF  }
0x1d: {  	s4 =	sld [smem:$0x0]  }
0x1e: {  	s5 =	sand.u32 $0xFFFFFFFE, s1  }
0x1f: {  	p0 =	sne.s32 s1, s5  }
0x20: {  	s5 =	sshll.u32 @p0 s5, $0xE  }
0x21: {  	s5 =	sadd.s32 @p0 $0x11B8D, s5;
	s6 =	sshll.u32 @p0 s4, $0x11  }
0x22: {  	s5 =	sor.u32 @p0 s6, s5  }
0x23: {  	[sflag:s5] =	ssyncadd.remote.s32 @p0 $0x1;
	_ =	sdelay $0x1  }
0x24: {  	s5 =	simm.s32 @p0 $0x1B8D  }
0x25: {  	_ =	swait.eq @p0 [sflag:s5], $0x1  }
0x26: {  	[sflag:s5] =	ssyncadd.s32 @p0 $0xFFFFFFFF  }
0x27: {  	s6 =	sshll.u32 @!p0 s1, $0xE  }
0x28: {  	s6 =	sor.u32 @!p0 $0x4000, s6;
	s5 =	simm.s32 @!p0 $0x1B8D  }
0x29: {  	s4 =	sshll.u32 @!p0 s4, $0x11;
	s6 =	sadd.s32 @!p0 $0x11B8D, s6;
	_ =	swait.eq @!p0 [sflag:s5], $0x1  }
0x2a: {  	s4 =	sor.u32 @!p0 s4, s6;
	[sflag:s5] =	ssyncadd.s32 @!p0 $0xFFFFFFFF  }
0x2b: {  	s26 =	simm.s32 $0x1B8E;
	s25 =	sld [smem:$0x3FFE];
	[sflag:s4] =	ssyncadd.remote.s32 @!p0 $0x1  }
0x2c: {  	s27 =	simm.s32 $execute0_lowered;
	[smem:$0x3FD2] =	sst s26  }
0x2d: {  	s5 =	sshll.u32 s27, $0x1;
	_ =	strace $0x80000049;
	[dreg:$0x1] =	wrdreg $0xFFFFFFFF  }
0x2e: {  	s28 =	simm.s32 $_size_execute0_lowered;
	s3 =	sadd.s32 s3, s5;
	[dreg:$0x0] =	wrdreg $0x0  }
0x2f: {  	s5 =	sshll.u32 s28, $0x1;
	[dreg:$0x2] =	wrdreg s3  }
0x30: {  	[dreg:$0x3] =	wrdreg s5  }
0x31: {  	[dreg:$0x4] =	wrdreg $0xC0  }
0x32: {  	_ =	task [dreg:s23], $0x5FFFF  }
0x33: {  	[dreg:$0x1] =	wrdreg $0xFFFFFFFF  }
0x34: {  	[dreg:$0x0] =	wrdreg $0x60  }
0x35: {  	[dreg:$0x2] =	wrdreg s25  }
0x36: {  	[dreg:$0x3] =	wrdreg $0x9  }
0x37: {  	_ =	task.clear_ibuf [dreg:s23], $0x4FFFF;
	_ =	strace $0x90000049  }
0x38: {  	s29 =	simm.s32 $0x9;
	_ =	strace $0x8000004B  }
0x39: {  	_ =	swait.ge [sflag:s29], $0x1  }
0x3a: {  	[sflag:s29] =	ssyncadd.s32 $0xFFFFFFFF  }
0x3b: {  	_ =	strace $0x9000004B  }
0x3c: {  	_ =	sfence  }
0x3d: {  	s30 =	sld [smem:$0x0];
	_ =	sdelay $0x2  }
0x3e: {  	s31 =	sshll.u32 s1, $0xD;
	s1 =	sshrl.u32 s1, $0x2  }
0x3f: {  	s4 =	sand.u32 $0x4000, s31;
	s1 =	sadd.s32 s1, s30  }
0x40: {  	s0 =	sor.u32 s4, s0;
	s1 =	sshll.u32 s1, $0x11  }
0x41: {  	s0 =	sor.u32 s1, s0  }
0x42: {  	s0 =	sadd.s32 $0x8F2B, s0  }
0x43: {  	[sflag:s0] =	ssyncadd.remote.s32 $0x1  }
0x44: {  	_ =	sfence.sel $0xFFFF  }
0x45: {  	[dreg:$0x0] =	wrdreg $0xFFFFFFFF;
	(pc) =	sbr.abs _section_cstart, $3  }
0x46: {  	[dreg:$0x1] =	wrdreg $0xFFFFFFFF  }
0x47: {  	_ =	task.clear_ibuf [dreg:s23], $0x2FFFF;
	_ =	strace $0x9FFFFFFF  }
0x48: {  	(tm) =	ssettm $0x7FFFFFFF  }
0x49: {  	_ =	shalt  }
tec
execute0_lowered:
.L_overlay_start_1:
0x0: {  	(tag) =	ssettag $0x1  }
0x1: {  	s0 =	srdreg.scid  }
0x2: {  	s1 =	sshll.u32 s0, $0x4  }
0x3: {  	s4 =	rddreg [dreg:$0x0];
	s0 =	stileid.u32;
	s1 =	sand.u32 $0x10, s1  }
0x4: {  	s7 =	simm.s32 $0x1;
	s8 =	simm.s32 $0x2;
	s2 =	sor.u32 s0, s1  }
0x5: {  	s11 =	simm.s32 $0x0;
	s3 =	sadd.s32 $0x3C9A00, s4;
	s2 =	sshll.u32 s2, $0x7  }
0x6: {  	s10 =	simm.s32 $0x0;
	s4 =	sadd.s32 $0x63AA00, s4;
	s6 =	ssub.s32 $0x4E200, s2  }
.Ltmp0:
0x7: {  	s1 =	rddreg [dreg:$0x1];
	s5 =	sand.u32 $0xF80, s6;
	(pc) =	sbr.rel .LBB1_1-.Ltmp0, $4  }
0x8: {  	_ =	strace $0x8000004A;
	s9 =	smov.u32 s2;
	p0 =	sne.s32 s5, $0x0  }
0x9: {  	s6 =	sshrl.u32 s6, $0xC;
	s5 =	simm.s32 $0x1;
	s7 =	simm.s32 @!p0 $0x0  }
0xa: {  	[sflag:s5] =	ssyncpa.u1 $0x0;
	p0 =	por $0x0, $0x0;
	s6 =	sadd.s32 s7, s6  }
0xb: {  	[sflag:s8] =	ssyncpa.u1 $0x0;
	s8 =	simm.s32 $0x138800;
	s7 =	sadd.s32 $0x1, s6  }
.LBB1_4:
0xc: {  	s15 =	sshll.u32 s11, $0x3;
	s26 =	sshll.u32 s11, $0x1  }
0xd: {  	s15 =	sand.u32 $0xFFFFFC00, s15;
	s11 =	sand.u32 $0xFE, s26  }
0xe: {  	s11 =	sor.u32 s11, s15  }
0xf: {  	s16 =	smulhi.u32 $0xD1B71759, s11  }
0x10: {  	v2 =	vcombine.high v4, v2;
	[tilespmem:s13+$0x810 ss:$0x81] =	vst.msk $0xffff, v8;
	s17 =	sand.u32 $0x7C, s14;
	v3 =	vperm.xlane.i2c.b16 v3;
	s27 =	sand.u32 $0x80, s14  }
0x11: {  	v1 =	vperm.xlane.i2c.b16 v1;
	[tilespmem:s13+$0x0 ss:$0x81] =	vst.msk $0xffff, v7;
	v60 =	vperm.xlane.i2c.b16 v6;
	s17 =	sshrl.u32 s17, $0x1;
	s15 =	smulhi.u32 $0xD1B71759, s15;
	s16 =	sshrl.u32 s16, $0x12  }
0x12: {  	s14 =	sshrl.u32 s27, $0x1;
	[tilespmem:s13+$0x811 ss:$0x81] =	vst.msk $0xffff, v5;
	s17 =	sadd.s32 s17, s12;
	v61 =	vcombine.low v3, v0;
	s16 =	smul.u32 $0x4E200, s16  }
0x13: {  	[tilespmem:s13+$0x1 ss:$0x81] =	vst.msk $0xffff, v2;
	v62 =	vcombine.low v60, v1;
	s28 =	sadd.s32 s14, s17;
	s29 =	sshrl.u32 s15, $0x12  }
0x14: {  	v1 =	vcombine.high v60, v1;
	[tilespmem:s28+$0x810 ss:$0x81] =	vst.msk $0xffff, v61;
	s14 =	sand.u32 $0x3F, s29;
	s11 =	ssub.s32 s11, s16  }
0x15: {  	v63 =	vcombine.high v3, v0;
	[tilespmem:s28+$0x0 ss:$0x81] =	vst.msk $0xffff, v62;
	s14 =	smul.u32 $0x4E20, s14;
	s30 =	sshrl.u32 s11, $0x4;
	s11 =	sshll.u32 s11, $0x11  }
0x16: {  	[tilespmem:s28+$0x1 ss:$0x81] =	vst.msk $0xffff, v1;
	s15 =	sadd.s32 s4, s30;
	s11 =	sand.u32 $0x1C0000, s11  }
0x17: {  	[tilespmem:s28+$0x811 ss:$0x81] =	vst.msk $0xffff, v63;
	s31 =	sadd.s32 s14, s15;
	s11 =	sor.u32 $0x200, s11  }
0x18: {  	[hbm4b:s31+s11] =	stream.strided.scatter [tilespmem:s12], [sflag:$0x2], $0x1000, s8, s11, $0x20;
	[tilespmem:$0x4040] =	vst v63  }
.LBB1_5:
0x19: {  	s13 =	sadd.s32 $0x1000, s9  }
0x1a: {  	p2 =	sgt.s32 s13, $0x4E1FF  }
0x1b: {  	s13 =	smov.u32 @p2 s2;
	p2 =	sne.s32 s10, s7  }
.Ltmp1:
0x1c: {  	p1 =	slt.u32 s10, $0x2;
	(pc) =	sbr.rel @!p2 .LBB1_6-.Ltmp1, $4  }
0x1d: {  	s12 =	simm.s32 @!p1 $0x2  }
0x1e: {  	s14 =	sadd.s32 $0x1, s10;
	_ =	swait.ge @!p1 [sflag:s12], $0x1000  }
0x1f: {  	s11 =	smov.u32 s9;
	p0 =	por !p0, !p0;
	[sflag:s12] =	ssyncset.done @!p1 $0x0  }
0x20: {  	s10 =	smov.u32 s14;
	s9 =	smov.u32 s13;
	[sflag:s12] =	ssyncadd.s32 @!p1 $0xFFFFF000  }
.LBB1_1:
0x21: {  	p1 =	sge.u32 s10, s6  }
0x22: {  	s12 =	sand.u32 @!p1 $0x1FFFFFE, s9  }
0x23: {  	s13 =	smulhi.u32 @!p1 $0x1A36E2F, s12;
	_ =	sdelay $0x1  }
0x24: {  	s13 =	sshrl.u32 @!p1 s13, $0xB  }
0x25: {  	s13 =	smul.u32 @!p1 $0x4E200, s13;
	_ =	sdelay $0x1  }
0x26: {  	s31 =	sadd.s32 $0xFFFFFFFF, s10;
	s12 =	ssub.s32 @!p1 s12, s13;
	s13 =	sxor.u32 @!p1 $0xFFFFFFFF, s10  }
0x27: {  	s14 =	simm.s32 @!p1 $0x40;
	s12 =	sshll.u32 @!p1 s12, $0x3;
	s13 =	sshll.u32 @!p1 s13, $0xC  }
0x28: {  	s15 =	simm.s32 @!p1 $0x80;
	s12 =	sadd.s32 @!p1 s3, s12;
	s13 =	sand.u32 @!p1 $0x1000, s13  }
0x29: {  	[tilespmem:s13], [sflag:$0x1] =	stream.strided.gather @!p1 [hbm4b:s12+s14], $0x1000, s15, s14, $0x38;
	[tilespmem:$0x4040] =	vst v63  }
0x2a: {  	p1 =	sge.u32 s31, s6  }
.Ltmp2:
0x2b: {  	_ = 	snop;
	(pc) =	sbr.rel @p1 .LBB1_5-.Ltmp2, $1  }
0x2c: {  	_ =	sdelay $0x3  }
0x2d: {  	s12 =	simm.s32 $0x1  }
0x2e: {  	_ =	swait.ge [sflag:s5], $0x1000;
	s12 =	simm.s32 @!p0 $0x0  }
0x2f: {  	[sflag:s5] =	ssyncset.done $0x0;
	s12 =	sshll.u32 s12, $0xC  }
0x30: {  	[sflag:s5] =	ssyncadd.s32 $0xFFFFF000;
	s12 =	sor.u32 $0x20, s12  }
0x31: {  	v0 =	vld [tilespmem:s12+$0x10]  }
0x32: {  	v1 =	vld [tilespmem:s12+$0xFFFFFFF0]  }
0x33: {  	v4 =	vld [tilespmem:s12+$0xFFFFFFE0]  }
0x34: {  	v3 =	vld [tilespmem:s12+$0x0];
	s14 =	sadd.s32 $0x40, s12  }
0x35: {  	s13 =	sand.u32 $0x1, s10;
	v5 =	vld [tilespmem:s14+$0x10]  }
0x36: {  	s30 =	smul.u32 $0x4080, s13  }
0x37: {  	s31 =	simm.s32 $0x0  }
0x38: {  	s15 =	sand.u32 $0x7C, s31;
	s12 =	sshrl.u32 s30, $0x2;
	v6 =	vld [tilespmem:s14+$0xFFFFFFE0];
	v2 =	vperm.xlane.i2c.b16 v1;
	v4 =	vperm.xlane.i2c.b16 v4  }
0x39: {  	s13 =	sand.u32 $0x80, s31;
	s16 =	sshrl.u32 s15, $0x1;
	s12 =	sor.u32 $0x2000, s12;
	v9 =	vperm.xlane.i2c.b16 v0;
	v10 =	vperm.xlane.i2c.b16 v3;
	v1 =	vld [tilespmem:s14+$0xFFFFFFF0]  }
0x3a: {  	s15 =	simm.s32 $0x2;
	s13 =	sshrl.u32 s13, $0x1;
	s17 =	sadd.s32 s16, s12;
	v3 =	vld [tilespmem:s14+$0x0];
	v0 =	vperm.xlane.i2c.b16 v5;
	v7 =	vcombine.low v4, v2  }
0x3b: {  	s16 =	sadd.s32 $0x40, s14;
	s13 =	sadd.s32 s13, s17;
	s14 =	simm.s32 $0x4;
	v8 =	vcombine.low v10, v9;
	v5 =	vcombine.high v10, v9  }
.LBB1_3:
0x3c: {  	s15 =	sadd.s32 $0x2, s15  }
0x3d: {  	v9 =	vld [tilespmem:s16+$0x10];
	v10 =	vcombine.high v4, v2;
	[tilespmem:s13+$0x810 ss:$0x81] =	vst.msk $0xffff, v8;
	p1 =	slt.u32 s15, $0x7E  }
.Ltmp3:
0x3e: {  	v2 =	vperm.xlane.i2c.b16 v1;
	v1 =	vld [tilespmem:s16+$0xFFFFFFF0];
	[tilespmem:s13+$0x0 ss:$0x81] =	vst.msk $0xffff, v7;
	(pc) =	sbr.rel @p1 .LBB1_3-.Ltmp3, $4  }
0x3f: {  	s17 =	sand.u32 $0x7C, s14;
	v4 =	vperm.xlane.i2c.b16 v6;
	v11 =	vperm.xlane.i2c.b16 v3;
	v3 =	vld [tilespmem:s16+$0x0];
	[tilespmem:s13+$0x1 ss:$0x81] =	vst.msk $0xffff, v10  }
0x40: {  	s18 =	sand.u32 $0x80, s14;
	s17 =	sshrl.u32 s17, $0x1;
	v6 =	vld [tilespmem:s16+$0xFFFFFFE0];
	[tilespmem:s13+$0x811 ss:$0x81] =	vst.msk $0xffff, v5  }
0x41: {  	v7 =	vcombine.low v4, v2;
	v8 =	vcombine.low v11, v0;
	s13 =	sadd.s32 s17, s12;
	s17 =	sshrl.u32 s18, $0x1  }
0x42: {  	s14 =	sadd.s32 $0x4, s14;
	s16 =	sadd.s32 $0x40, s16;
	v5 =	vcombine.high v11, v0;
	s13 =	sadd.s32 s17, s13;
	v0 =	vperm.xlane.i2c.b16 v9  }
.Ltmp4:
0x43: {  	_ = 	snop;
	(pc) =	sbr.rel .LBB1_4-.Ltmp4, $1  }
0x44: {  	_ =	sdelay $0x3  }
.LBB1_6:
0x45: {  	_ =	sfence.sel $0x180000  }
0x46: {  	s2 =	simm.s32 $0x1;
	[bflag:$0x0] =	sbarrier.arrive $0xFFFF  }
0x47: {  	s31 =	simm.s32 $0x2;
	[sflag:s2] =	ssyncpa.u1 $0x1  }
0x48: {  	[sflag:s31] =	ssyncpa.u1 $0x1  }
0x49: {  	p0 =	sne.s32 s0, $0x0;
	_ =	strace $0x9000004A  }
0x4a: {  	s0 =	sadd.s32 @!p0 $0x100000, s1;
	[bflag:$0x2] =	sbarrier.arrive $0xFFFF  }
0x4b: {  	[sflag:s0] =	ssyncadd.tile.s32 @!p0 $0x1;
	_ =	shalt  }
.Lfunc_end1:
_tile_overlayer_lowered:
.L_overlay_start_2:
0x4c: {  	(tag) =	ssettag $0x2  }
0x4d: {  	s0 =	rddreg [dreg:$0x0];
	s2 =	stileid.u32  }
0x4e: {  	s1 =	rddreg [dreg:$0x1];
	p0 =	sne.s32 s2, $0x0  }
0x4f: {  	s3 =	rddreg [dreg:$0x2];
	[bflag:$0x3] =	sbarrier.arrive $0xFFFF;
	s2 =	simm.s32 @!p0 $0x1C01  }
0x50: {  	[timem:s3], [sflag:s2] =	dma.local @!p0 [hbm:s0], s1  }
0x51: {  	s0 =	simm.s32 @!p0 $0x1  }
0x52: {  	_ =	swait.ge @!p0 [sflag:s0], s1  }
0x53: {  	s1 =	ssub.s32 @!p0 $0x0, s1;
	[sflag:s0] =	ssyncset.done @!p0 $0x0  }
0x54: {  	[sflag:s0] =	ssyncadd.s32 @!p0 s1  }
0x55: {  	[bflag:$0x3] =	sbarrier.arrive $0xFFFF  }
0x56: {  	_ =	shalt  }

</sc_bundles>
